<compile_context>
chip_gen: v7x
topology: tpu7x:2x2x1
jax: 0.10.2.dev20260603
libtpu: 0.0.44.dev20260713+nightly
codegen_flags: <defaults>
</compile_context>

<pallas_src>
import functools

import jax
import jax.numpy as jnp
import numpy as np
from jax import lax
from jax.experimental import pallas as pl
from jax.experimental.pallas import tpu as pltpu
from jax.experimental.pallas import tpu_sc as plsc

B = 8
N = 2048
S = 512
IN_CH = 64
RADII = (0.1, 0.2, 0.4)
KS = (16, 32, 128)
C1S = (32, 64, 64)
C2S = (32, 64, 96)
C3S = (64, 128, 128)
CP = 128
R2 = tuple(np.float32(r ** 2) for r in RADII)

NC = 2
NSC = 16
NW = NC * NSC
RPW = (B * S) // NW

_F32 = jnp.float32
_I32 = jnp.int32


def _fps_kernel(xs_ref, ys_ref, zs_ref, nx_ref, ny_ref, nz_ref):
    xs = xs_ref[...]
    ys = ys_ref[...]
    zs = zs_ref[...]
    iota_n = lax.broadcasted_iota(_I32, (B, N), 1)
    iota_s = lax.broadcasted_iota(_I32, (B, S), 1)

    def body(i, carry):
        dist, far, ax, ay, az = carry
        onehot = iota_n == far
        cx = jnp.sum(jnp.where(onehot, xs, 0.0), axis=1, keepdims=True)
        cy = jnp.sum(jnp.where(onehot, ys, 0.0), axis=1, keepdims=True)
        cz = jnp.sum(jnp.where(onehot, zs, 0.0), axis=1, keepdims=True)
        dx = xs - cx
        dy = ys - cy
        dz = zs - cz
        d = (dx * dx + dy * dy) + dz * dz
        dist = jnp.minimum(dist, d)
        m = jnp.max(dist, axis=1, keepdims=True)
        far = jnp.min(jnp.where(dist == m, iota_n, N), axis=1, keepdims=True)
        sel = iota_s == i
        ax = jnp.where(sel, cx, ax)
        ay = jnp.where(sel, cy, ay)
        az = jnp.where(sel, cz, az)
        return dist, far, ax, ay, az

    init = (
        jnp.full((B, N), 1e10, _F32),
        jnp.zeros((B, 1), _I32),
        jnp.zeros((B, S), _F32),
        jnp.zeros((B, S), _F32),
        jnp.zeros((B, S), _F32),
    )
    _, _, ax, ay, az = lax.fori_loop(0, S, body, init)
    nx_ref[...] = ax
    ny_ref[...] = ay
    nz_ref[...] = az


def _fps_call(xs, ys, zs):
    return pl.pallas_call(
        _fps_kernel,
        out_shape=[jax.ShapeDtypeStruct((B, S), _F32)] * 3,
    )(xs, ys, zs)


def _dist_kernel(nxp_ref, xyzt_ref, out_ref):
    a = nxp_ref[0]
    bt = xyzt_ref[0]
    mm = jnp.dot(a, bt, preferred_element_type=_F32)
    ssrc = jnp.sum(a * a, axis=1, keepdims=True)
    sdst = jnp.sum(bt * bt, axis=0, keepdims=True)
    out_ref[0] = (-2.0 * mm + ssrc) + sdst


def _dist_call(nxp, xyztp):
    return pl.pallas_call(
        _dist_kernel,
        grid=(B,),
        in_specs=[
            pl.BlockSpec((1, S, 8), lambda b: (b, 0, 0)),
            pl.BlockSpec((1, 8, N), lambda b: (b, 0, 0)),
        ],
        out_specs=pl.BlockSpec((1, S, N), lambda b: (b, 0, 0)),
        out_shape=jax.ShapeDtypeStruct((B, S, N), _F32),
    )(nxp, xyztp)


def _p1_kernel(pts_ref, xp_ref, wp1, wx1, wp2, wx2, wp3, wx3, t1, t2, t3):
    p = pts_ref[...]
    x = xp_ref[...]
    t1[...] = (jnp.dot(p, wp1[...], preferred_element_type=_F32)
               + jnp.dot(x, wx1[...], preferred_element_type=_F32))
    t2[...] = (jnp.dot(p, wp2[...], preferred_element_type=_F32)
               + jnp.dot(x, wx2[...], preferred_element_type=_F32))
    t3[...] = (jnp.dot(p, wp3[...], preferred_element_type=_F32)
               + jnp.dot(x, wx3[...], preferred_element_type=_F32))


def _p1_call(pts2d, xp2d, wps, wxs):
    rb = 2048
    grid = (B * N // rb,)
    wspec = lambda shp: pl.BlockSpec(shp, lambda i: (0, 0))
    return pl.pallas_call(
        _p1_kernel,
        grid=grid,
        in_specs=[
            pl.BlockSpec((rb, IN_CH), lambda i: (i, 0)),
            pl.BlockSpec((rb, 8), lambda i: (i, 0)),
            wspec((IN_CH, CP)), wspec((8, CP)),
            wspec((IN_CH, CP)), wspec((8, CP)),
            wspec((IN_CH, CP)), wspec((8, CP)),
        ],
        out_specs=[
            pl.BlockSpec((rb, CP), lambda i: (i, 0)),
            pl.BlockSpec((rb, CP), lambda i: (i, 0)),
            pl.BlockSpec((rb, CP), lambda i: (i, 0)),
        ],
        out_shape=[
            jax.ShapeDtypeStruct((B * N, CP), _F32),
            jax.ShapeDtypeStruct((B * N, CP), _F32),
            jax.ShapeDtypeStruct((B * N, CP), _F32),
        ],
    )(pts2d, xp2d, wps[0], wxs[0], wps[1], wxs[1], wps[2], wxs[2])


def _sc_kernel(dist_hbm, t1_hbm, t2_hbm, t3_hbm,
               g1_hbm, g2_hbm, g3_hbm, cnt_hbm,
               dv, sb1, sb2, sb3, gb1, gb2, gb3, gb1b, gb2b, gb3b, cbuf,
               r1v, r2v, r3v, sem1, sem2, sem3):
    cid = lax.axis_index("c")
    sid = lax.axis_index("s")
    wid = sid * NC + cid
    row0 = wid * RPW
    boff = (row0 // S) * N

    for j in range((KS[0] + 32) // 16):
        sb1[pl.ds(j * 16, 16)] = lax.iota(_I32, 16) + j * 16
    for j in range((KS[1] + 32) // 16):
        sb2[pl.ds(j * 16, 16)] = lax.iota(_I32, 16) + j * 16
    for j in range((KS[2] + 32) // 16):
        sb3[pl.ds(j * 16, 16)] = lax.iota(_I32, 16) + j * 16

    def _select_row(row, gb1x, gb2x, gb3x):
        pltpu.sync_copy(dist_hbm.at[row], dv)

        def chunk(c, tc):
            t1, t2, t3 = tc
            d = dv[pl.ds(c * 16, 16)]
            idxv = lax.iota(_I32, 16) + c * 16
            m1 = d <= R2[0]
            m2 = d <= R2[1]
            m3 = d <= R2[2]
            plsc.store_compressed(
                sb3.at[pl.ds(jnp.minimum(t3, KS[2]), 16)], idxv, mask=m3)
            plsc.store_compressed(
                sb2.at[pl.ds(jnp.minimum(t2, KS[1]), 16)], idxv, mask=m2)
            plsc.store_compressed(
                sb1.at[pl.ds(jnp.minimum(t1, KS[0]), 16)], idxv, mask=m1)
            t1 = t1 + jnp.sum(m1.astype(_I32))
            t2 = t2 + jnp.sum(m2.astype(_I32))
            t3 = t3 + jnp.sum(m3.astype(_I32))
            return t1, t2, t3

        zero = jnp.zeros((), _I32)
        t1, t2, t3 = lax.fori_loop(0, N // 16, chunk, (zero, zero, zero))

        lane = lax.iota(_I32, 16)
        cbuf[...] = ((lane == 0).astype(_I32) * t1
                     + (lane == 1).astype(_I32) * t2
                     + (lane == 2).astype(_I32) * t3)
        pltpu.sync_copy(cbuf, cnt_hbm.at[row])

        for j in range(KS[0] // 16):
            gb1x[pl.ds(j * 16, 16)] = sb1[pl.ds(j * 16, 16)] + boff
        for j in range(KS[1] // 16):
            gb2x[pl.ds(j * 16, 16)] = sb2[pl.ds(j * 16, 16)] + boff
        for j in range(KS[2] // 16):
            gb3x[pl.ds(j * 16, 16)] = sb3[pl.ds(j * 16, 16)] + boff

    def pair_body(p, carry):
        ra = row0 + 2 * p
        rb = ra + 1
        _select_row(ra, gb1, gb2, gb3)
        cp1 = pltpu.async_copy(t1_hbm.at[gb1], r1v, sem1)
        cp2 = pltpu.async_copy(t2_hbm.at[gb2], r2v, sem2)
        cp3 = pltpu.async_copy(t3_hbm.at[gb3], r3v, sem3)
        _select_row(rb, gb1b, gb2b, gb3b)
        cp1.wait()
        pltpu.sync_copy(r1v, g1_hbm.at[ra])
        cp2.wait()
        pltpu.sync_copy(r2v, g2_hbm.at[ra])
        cp3.wait()
        pltpu.sync_copy(r3v, g3_hbm.at[ra])
        dp1 = pltpu.async_copy(t1_hbm.at[gb1b], r1v, sem1)
        dp2 = pltpu.async_copy(t2_hbm.at[gb2b], r2v, sem2)
        dp3 = pltpu.async_copy(t3_hbm.at[gb3b], r3v, sem3)
        dp1.wait()
        pltpu.sync_copy(r1v, g1_hbm.at[rb])
        dp2.wait()
        pltpu.sync_copy(r2v, g2_hbm.at[rb])
        dp3.wait()
        pltpu.sync_copy(r3v, g3_hbm.at[rb])
        return carry

    lax.fori_loop(0, RPW // 2, pair_body, jnp.zeros((), _I32))



def _sc_call(dist2d, t1, t2, t3):
    mesh = plsc.VectorSubcoreMesh(core_axis_name="c", subcore_axis_name="s",
                                  num_cores=NC, num_subcores=NSC)
    fn = functools.partial(
        pl.kernel,
        out_type=[
            jax.ShapeDtypeStruct((B * S, KS[0], CP), _F32),
            jax.ShapeDtypeStruct((B * S, KS[1], CP), _F32),
            jax.ShapeDtypeStruct((B * S, KS[2], CP), _F32),
            jax.ShapeDtypeStruct((B * S, 16), _I32),
        ],
        mesh=mesh,
        compiler_params=pltpu.CompilerParams(needs_layout_passes=False),
        scratch_types=[
            pltpu.VMEM((N,), _F32),
            pltpu.VMEM((KS[0] + 32,), _I32),
            pltpu.VMEM((KS[1] + 32,), _I32),
            pltpu.VMEM((KS[2] + 32,), _I32),
            pltpu.VMEM((KS[0],), _I32),
            pltpu.VMEM((KS[1],), _I32),
            pltpu.VMEM((KS[2],), _I32),
            pltpu.VMEM((KS[0],), _I32),
            pltpu.VMEM((KS[1],), _I32),
            pltpu.VMEM((KS[2],), _I32),
            pltpu.VMEM((16,), _I32),
            pltpu.VMEM((KS[0], CP), _F32),
            pltpu.VMEM((KS[1], CP), _F32),
            pltpu.VMEM((KS[2], CP), _F32),
            pltpu.SemaphoreType.DMA,
            pltpu.SemaphoreType.DMA,
            pltpu.SemaphoreType.DMA,
        ],
    )(_sc_kernel)
    return fn(dist2d, t1, t2, t3)


def _make_mlp_kernel(sb, k, scale):
    def _mlp_kernel(g_ref, nx_ref, cnt_ref, wx, b1, w2, b2, w3, b3, o_ref):
        nx = nx_ref[...]
        cterm = jnp.dot(nx, wx[...], preferred_element_type=_F32) - b1[...]
        g = g_ref[...]
        h1 = jnp.maximum(g - cterm[:, None, :], 0.0)
        h1 = h1.reshape(sb * k, CP)
        h2 = jnp.maximum(
            jnp.dot(h1, w2[...], preferred_element_type=_F32) + b2[...], 0.0)
        h3 = jnp.maximum(
            jnp.dot(h2, w3[...], preferred_element_type=_F32) + b3[...], 0.0)
        h3 = h3.reshape(sb, k, CP)
        t = cnt_ref[...][:, scale:scale + 1]
        kio = lax.broadcasted_iota(_I32, (sb, k, CP), 1)
        t3 = lax.broadcast_in_dim(t, (sb, k, CP), (0, 1))
        valid = kio < t3
        h3 = jnp.where(valid, h3, 0.0)
        o_ref[...] = jnp.max(h3, axis=1)

    return _mlp_kernel


def _mlp_call(scale, g, nxp2d, cnt, wx, b1, w2, b2, w3, b3):
    k = KS[scale]
    sb = {0: 256, 1: 256, 2: 64}[scale]
    grid = (B * S // sb,)
    wspec = lambda shp: pl.BlockSpec(shp, lambda i: (0, 0))
    return pl.pallas_call(
        _make_mlp_kernel(sb, k, scale),
        grid=grid,
        in_specs=[
            pl.BlockSpec((sb, k, CP), lambda i: (i, 0, 0)),
            pl.BlockSpec((sb, 8), lambda i: (i, 0)),
            pl.BlockSpec((sb, 16), lambda i: (i, 0)),
            wspec((8, CP)),
            wspec((1, CP)),
            wspec((CP, CP)),
            wspec((1, CP)),
            wspec((CP, CP)),
            wspec((1, CP)),
        ],
        out_specs=pl.BlockSpec((sb, CP), lambda i: (i, 0)),
        out_shape=jax.ShapeDtypeStruct((B * S, CP), _F32),
    )(g, nxp2d, cnt, wx, b1, w2, b2, w3, b3)


def _fold_bn(layer):
    a = layer['gamma'] / jnp.sqrt(layer['rv'] + 1e-5)
    w = layer['W'] * a[:, None]
    b = layer['b'] * a + layer['beta'] - layer['rm'] * a
    return w, b


def kernel(xyz, points, params):
    xs = xyz[:, :, 0]
    ys = xyz[:, :, 1]
    zs = xyz[:, :, 2]
    nx, ny, nz = _fps_call(xs, ys, zs)
    new_xyz = jnp.stack([nx, ny, nz], axis=-1)

    nxp = jnp.concatenate([new_xyz, jnp.zeros((B, S, 5), _F32)], axis=-1)
    xyzt = jnp.transpose(xyz, (0, 2, 1))
    xyztp = jnp.concatenate([xyzt, jnp.zeros((B, 5, N), _F32)], axis=1)
    dist = _dist_call(nxp, xyztp)

    folded = [[_fold_bn(l) for l in params[i]] for i in range(3)]

    def _padc(a):
        return jnp.concatenate(
            [a, jnp.zeros(a.shape[:-1] + (CP - a.shape[-1],), _F32)], -1)

    wps, wxs, b1s = [], [], []
    for i in range(3):
        w1, b1 = folded[i][0]
        wps.append(_padc(jnp.transpose(w1[:, :IN_CH])))
        wx = jnp.transpose(w1[:, IN_CH:])
        wx = jnp.concatenate([wx, jnp.zeros((5, C1S[i]), _F32)], 0)
        wxs.append(_padc(wx))
        b1s.append(_padc(b1[None, :]))

    pts2d = points.reshape(B * N, IN_CH)
    xp2d = jnp.concatenate(
        [xyz.reshape(B * N, 3), jnp.zeros((B * N, 5), _F32)], axis=-1)
    t1, t2, t3 = _p1_call(pts2d, xp2d, wps, wxs)

    g1, g2, g3, cnt = _sc_call(dist.reshape(B * S, N), t1, t2, t3)

    nxp2d = nxp.reshape(B * S, 8)
    outs = []
    for i, g in enumerate((g1, g2, g3)):
        w2, b2 = folded[i][1]
        w3, b3 = folded[i][2]
        w2p = jnp.zeros((CP, CP), _F32).at[:C1S[i], :C2S[i]].set(
            jnp.transpose(w2))
        w3p = jnp.zeros((CP, CP), _F32).at[:C2S[i], :C3S[i]].set(
            jnp.transpose(w3))
        outs.append(_mlp_call(
            i, g, nxp2d, cnt, wxs[i], b1s[i],
            w2p, _padc(b2[None, :]),
            w3p, _padc(b3[None, :])))

    new_points = jnp.concatenate(
        [outs[0][:, :C3S[0]].reshape(B, S, C3S[0]),
         outs[1][:, :C3S[1]].reshape(B, S, C3S[1]),
         outs[2][:, :C3S[2]].reshape(B, S, C3S[2])], axis=-1)
    return (new_xyz, new_points)

# --- scband reference (transcript-rebuilt; emitter-appended) ---
"""Pipeline reference for scband-point-net-set-abstraction-msg-51737176047776 (READ-ONLY COPY).

The authoritative reference and input builder live on the scoring server;
editing this copy changes nothing except your own understanding.
"""

import jax, jax.numpy as jnp
import numpy as np

NPOINT = 512
RADII = [0.1, 0.2, 0.4]
NSAMPLES = [16, 32, 128]
IN_CH = 64
MLPS = [[32, 32, 64], [64, 64, 128], [64, 96, 128]]


def square_distance(src, dst):
    # dist = |src|^2 + |dst|^2 - 2 src.dst  (same math as the broadcasted torch version)
    d = -2.0 * jnp.matmul(src, jnp.swapaxes(dst, -1, -2))
    d = d + jnp.sum(src ** 2, -1)[..., :, None]
    d = d + jnp.sum(dst ** 2, -1)[..., None, :]
    return d


def index_points(points, idx):
    raw = idx.shape
    B = raw[0]
    idx_flat = idx.reshape(B, -1)
    res = jnp.take_along_axis(points, idx_flat[..., None], axis=1)
    return res.reshape(raw + (points.shape[-1],))


def farthest_point_sample(xyz, npoint):
    B, N, C = xyz.shape
    batch_idx = jnp.arange(B)

    def body(i, carry):
        centroids, distance, farthest = carry
        centroids = centroids.at[:, i].set(farthest)
        centroid = xyz[batch_idx, farthest][:, None, :]
        dist = jnp.sum((xyz - centroid) ** 2, -1)
        distance = jnp.minimum(distance, dist)
        farthest = jnp.argmax(distance, axis=-1).astype(jnp.int32)
        return (centroids, distance, farthest)

    init = (jnp.zeros((B, npoint), jnp.int32),
            jnp.full((B, N), 1e10, dtype=jnp.float32),
            jnp.zeros((B,), jnp.int32))
    centroids, _, _ = jax.lax.fori_loop(0, npoint, body, init)
    return centroids


def query_ball_point(radius, nsample, xyz, new_xyz):
    B, N, _ = xyz.shape
    S = new_xyz.shape[1]
    sqrdists = square_distance(new_xyz, xyz)
    group_idx = jnp.broadcast_to(jnp.arange(N, dtype=jnp.int32), (B, S, N))
    group_idx = jnp.where(sqrdists > radius ** 2, N, group_idx)
    group_idx = jnp.sort(group_idx, axis=-1)[:, :, :nsample]
    group_first = group_idx[:, :, 0:1]
    group_idx = jnp.where(group_idx == N, jnp.broadcast_to(group_first, group_idx.shape), group_idx)
    return group_idx


def _msg_forward(xyz, points, params, fps_idx):
    B, N, C = xyz.shape
    S = NPOINT
    new_xyz = index_points(xyz, fps_idx)
    new_points_list = []
    for i, radius in enumerate(RADII):
        K = NSAMPLES[i]
        group_idx = query_ball_point(radius, K, xyz, new_xyz)
        grouped_xyz = index_points(xyz, group_idx) - new_xyz[:, :, None, :]
        grouped_points = jnp.concatenate([index_points(points, group_idx), grouped_xyz], axis=-1)
        gp = jnp.transpose(grouped_points, (0, 3, 2, 1))  # [B, C, K, S]
        for layer in params[i]:
            gp = jnp.einsum('oc,bcks->boks', layer['W'], gp) + layer['b'][None, :, None, None]
            gp = (gp - layer['rm'][None, :, None, None]) / jnp.sqrt(layer['rv'][None, :, None, None] + 1e-5)
            gp = gp * layer['gamma'][None, :, None, None] + layer['beta'][None, :, None, None]
            gp = jax.nn.relu(gp)
        new_points_list.append(jnp.max(gp, axis=2))  # [B, C_out, S]
    new_points_concat = jnp.transpose(jnp.concatenate(new_points_list, axis=1), (0, 2, 1))
    return (new_xyz, new_points_concat)


def setup_inputs(seed: int = 0):
    key = jax.random.key(seed)
    kx, kp, kw = jax.random.split(key, 3)
    B, N = 8, 2048
    xyz = jax.random.uniform(kx, (B, N, 3), dtype=jnp.float32)
    points = jax.random.normal(kp, (B, N, IN_CH), dtype=jnp.float32)
    params = []
    for mlp in MLPS:
        last = IN_CH + 3
        layers = []
        for out_ch in mlp:
            kw, k1 = jax.random.split(kw)
            layers.append({
                'W': jax.random.normal(k1, (out_ch, last), dtype=jnp.float32) * (1.0 / np.sqrt(last)),
                'b': jnp.zeros((out_ch,), jnp.float32),
                'gamma': jnp.ones((out_ch,), jnp.float32),
                'beta': jnp.zeros((out_ch,), jnp.float32),
                'rm': jnp.zeros((out_ch,), jnp.float32),
                'rv': jnp.ones((out_ch,), jnp.float32),
            })
            last = out_ch
        params.append(layers)
    return {'xyz': xyz, 'points': points, 'params': params}


def reference(xyz, points, params):
    fps_idx = farthest_point_sample(xyz, NPOINT)
    return _msg_forward(xyz, points, params, fps_idx)

if __name__ == "__main__":
    import jax
    _d = setup_inputs()
    print(jax.jit(kernel)(*tuple(_d.values())))

</pallas_src>

<mosaic_0001>
#map = affine_map<(d0, d1) -> (0, 0)>
#map1 = affine_map<(d0, d1) -> (0, 0, 0)>
module attributes {stable_mosaic.version = 14 : i64} {
  func.func @_sc_kernel(%arg0: i32, %arg1: i32, %arg2: memref<4096x2048xf32, #tpu.memory_space<hbm>>, %arg3: memref<16384x128xf32, #tpu.memory_space<hbm>>, %arg4: memref<16384x128xf32, #tpu.memory_space<hbm>>, %arg5: memref<16384x128xf32, #tpu.memory_space<hbm>>, %arg6: memref<4096x16x128xf32, #tpu.memory_space<hbm>>, %arg7: memref<4096x32x128xf32, #tpu.memory_space<hbm>>, %arg8: memref<4096x128x128xf32, #tpu.memory_space<hbm>>, %arg9: memref<4096x16xi32, #tpu.memory_space<hbm>>, %arg10: memref<2048xf32, #tpu.memory_space<vmem>>, %arg11: memref<48xi32, #tpu.memory_space<vmem>>, %arg12: memref<64xi32, #tpu.memory_space<vmem>>, %arg13: memref<160xi32, #tpu.memory_space<vmem>>, %arg14: memref<16xi32, #tpu.memory_space<vmem>>, %arg15: memref<32xi32, #tpu.memory_space<vmem>>, %arg16: memref<128xi32, #tpu.memory_space<vmem>>, %arg17: memref<16xi32, #tpu.memory_space<vmem>>, %arg18: memref<32xi32, #tpu.memory_space<vmem>>, %arg19: memref<128xi32, #tpu.memory_space<vmem>>, %arg20: memref<16xi32, #tpu.memory_space<vmem>>, %arg21: memref<16x128xf32, #tpu.memory_space<vmem>>, %arg22: memref<32x128xf32, #tpu.memory_space<vmem>>, %arg23: memref<128x128xf32, #tpu.memory_space<vmem>>, %arg24: memref<!tpu.dma_semaphore, #tpu.memory_space<semaphore_mem>>, %arg25: memref<!tpu.dma_semaphore, #tpu.memory_space<semaphore_mem>>, %arg26: memref<!tpu.dma_semaphore, #tpu.memory_space<semaphore_mem>>) attributes {dimension_semantics = [#tpu.dimension_semantics<core_parallel>, #tpu.dimension_semantics<subcore_parallel>], iteration_bounds = array<i64: 2, 16>, scalar_prefetch = 0 : i64, scratch_operands = 17 : i64, tpu.core_type = #tpu.core_type<sc_vector_subcore>, window_params = [{transform_indices = #map}, {transform_indices = #map}, {transform_indices = #map}, {transform_indices = #map}, {transform_indices = #map1}, {transform_indices = #map1}, {transform_indices = #map1}, {transform_indices = #map}]} {
    %mul3A = arith.constant 2 : i32
    %mul3A_0 = arith.muli %arg1, %mul3A : i32
    %add3A = arith.addi %mul3A_0, %arg0 : i32
    %mul3A_1 = arith.constant 128 : i32
    %mul3A_2 = arith.muli %add3A, %mul3A_1 : i32
    %jit3A = arith.constant 512 : i32
    %div3A = arith.divsi %mul3A_2, %jit3A : i32
    %sign3A = arith.constant 0 : i32
    %sign3A_3 = arith.cmpi sgt, %mul3A_2, %sign3A : i32
    %sign3A_4 = arith.extui %sign3A_3 : i1 to i32
    %sign3A_5 = arith.constant 0 : i32
    %sign3A_6 = arith.cmpi slt, %mul3A_2, %sign3A_5 : i32
    %sign3A_7 = arith.extui %sign3A_6 : i1 to i32
    %sign3A_8 = arith.subi %sign3A_4, %sign3A_7 : i32
    %sign3A_9 = arith.constant 0 : i32
    %sign3A_10 = arith.cmpi sgt, %jit3A, %sign3A_9 : i32
    %sign3A_11 = arith.extui %sign3A_10 : i1 to i32
    %sign3A_12 = arith.constant 0 : i32
    %sign3A_13 = arith.cmpi slt, %jit3A, %sign3A_12 : i32
    %sign3A_14 = arith.extui %sign3A_13 : i1 to i32
    %sign3A_15 = arith.subi %sign3A_11, %sign3A_14 : i32
    %ne3A = arith.cmpi ne, %sign3A_8, %sign3A_15 : i32
    %rem3A = arith.remsi %mul3A_2, %jit3A : i32
    %ne3A_16 = arith.constant 0 : i32
    %ne3A_17 = arith.cmpi ne, %rem3A, %ne3A_16 : i32
    %and3A = arith.andi %ne3A, %ne3A_17 : i1
    %sub3A = arith.constant 1 : i32
    %sub3A_18 = arith.subi %div3A, %sub3A : i32
    %select_n3A = arith.select %and3A, %sub3A_18, %div3A : i32
    %mul3A_19 = arith.constant 2048 : i32
    %mul3A_20 = arith.muli %select_n3A, %mul3A_19 : i32
    %iota3A = tpu.iota {dimensions = array<i32: 0>} : vector<16xi32>
    %add3A_21 = arith.constant 0 : i32
    %add3A_22 = vector.broadcast %add3A_21 : i32 to vector<16xi32>
    %add3A_23 = arith.addi %iota3A, %add3A_22 : vector<16xi32>
    %swap3A = arith.constant 0 : index
    %swap3A_24 = tpu.vector_load %arg11[%swap3A] {strides = array<i32>} : memref<48xi32, #tpu.memory_space<vmem>>, vector<16xi32>,
    tpu.vector_store %arg11[%swap3A], %add3A_23 {strides = array<i32>} : memref<48xi32, #tpu.memory_space<vmem>>, vector<16xi32>,
    %iota3A_25 = tpu.iota {dimensions = array<i32: 0>} : vector<16xi32>
    %add3A_26 = arith.constant 16 : i32
    %add3A_27 = vector.broadcast %add3A_26 : i32 to vector<16xi32>
    %add3A_28 = arith.addi %iota3A_25, %add3A_27 : vector<16xi32>
    %swap3A_29 = arith.constant 16 : index
    %swap3A_30 = tpu.vector_load %arg11[%swap3A_29] {strides = array<i32>} : memref<48xi32, #tpu.memory_space<vmem>>, vector<16xi32>,
    tpu.vector_store %arg11[%swap3A_29], %add3A_28 {strides = array<i32>} : memref<48xi32, #tpu.memory_space<vmem>>, vector<16xi32>,
    %iota3A_31 = tpu.iota {dimensions = array<i32: 0>} : vector<16xi32>
    %add3A_32 = arith.constant 32 : i32
    %add3A_33 = vector.broadcast %add3A_32 : i32 to vector<16xi32>
    %add3A_34 = arith.addi %iota3A_31, %add3A_33 : vector<16xi32>
    %swap3A_35 = arith.constant 32 : index
    %swap3A_36 = tpu.vector_load %arg11[%swap3A_35] {strides = array<i32>} : memref<48xi32, #tpu.memory_space<vmem>>, vector<16xi32>,
    tpu.vector_store %arg11[%swap3A_35], %add3A_34 {strides = array<i32>} : memref<48xi32, #tpu.memory_space<vmem>>, vector<16xi32>,
    %iota3A_37 = tpu.iota {dimensions = array<i32: 0>} : vector<16xi32>
    %add3A_38 = arith.constant 0 : i32
    %add3A_39 = vector.broadcast %add3A_38 : i32 to vector<16xi32>
    %add3A_40 = arith.addi %iota3A_37, %add3A_39 : vector<16xi32>
    %swap3A_41 = arith.constant 0 : index
    %swap3A_42 = tpu.vector_load %arg12[%swap3A_41] {strides = array<i32>} : memref<64xi32, #tpu.memory_space<vmem>>, vector<16xi32>,
    tpu.vector_store %arg12[%swap3A_41], %add3A_40 {strides = array<i32>} : memref<64xi32, #tpu.memory_space<vmem>>, vector<16xi32>,
    %iota3A_43 = tpu.iota {dimensions = array<i32: 0>} : vector<16xi32>
    %add3A_44 = arith.constant 16 : i32
    %add3A_45 = vector.broadcast %add3A_44 : i32 to vector<16xi32>
    %add3A_46 = arith.addi %iota3A_43, %add3A_45 : vector<16xi32>
    %swap3A_47 = arith.constant 16 : index
    %swap3A_48 = tpu.vector_load %arg12[%swap3A_47] {strides = array<i32>} : memref<64xi32, #tpu.memory_space<vmem>>, vector<16xi32>,
    tpu.vector_store %arg12[%swap3A_47], %add3A_46 {strides = array<i32>} : memref<64xi32, #tpu.memory_space<vmem>>, vector<16xi32>,
    %iota3A_49 = tpu.iota {dimensions = array<i32: 0>} : vector<16xi32>
    %add3A_50 = arith.constant 32 : i32
    %add3A_51 = vector.broadcast %add3A_50 : i32 to vector<16xi32>
    %add3A_52 = arith.addi %iota3A_49, %add3A_51 : vector<16xi32>
    %swap3A_53 = arith.constant 32 : index
    %swap3A_54 = tpu.vector_load %arg12[%swap3A_53] {strides = array<i32>} : memref<64xi32, #tpu.memory_space<vmem>>, vector<16xi32>,
    tpu.vector_store %arg12[%swap3A_53], %add3A_52 {strides = array<i32>} : memref<64xi32, #tpu.memory_space<vmem>>, vector<16xi32>,
    %iota3A_55 = tpu.iota {dimensions = array<i32: 0>} : vector<16xi32>
    %add3A_56 = arith.constant 48 : i32
    %add3A_57 = vector.broadcast %add3A_56 : i32 to vector<16xi32>
    %add3A_58 = arith.addi %iota3A_55, %add3A_57 : vector<16xi32>
    %swap3A_59 = arith.constant 48 : index
    %swap3A_60 = tpu.vector_load %arg12[%swap3A_59] {strides = array<i32>} : memref<64xi32, #tpu.memory_space<vmem>>, vector<16xi32>,
    tpu.vector_store %arg12[%swap3A_59], %add3A_58 {strides = array<i32>} : memref<64xi32, #tpu.memory_space<vmem>>, vector<16xi32>,
    %iota3A_61 = tpu.iota {dimensions = array<i32: 0>} : vector<16xi32>
    %add3A_62 = arith.constant 0 : i32
    %add3A_63 = vector.broadcast %add3A_62 : i32 to vector<16xi32>
    %add3A_64 = arith.addi %iota3A_61, %add3A_63 : vector<16xi32>
    %swap3A_65 = arith.constant 0 : index
    %swap3A_66 = tpu.vector_load %arg13[%swap3A_65] {strides = array<i32>} : memref<160xi32, #tpu.memory_space<vmem>>, vector<16xi32>,
    tpu.vector_store %arg13[%swap3A_65], %add3A_64 {strides = array<i32>} : memref<160xi32, #tpu.memory_space<vmem>>, vector<16xi32>,
    %iota3A_67 = tpu.iota {dimensions = array<i32: 0>} : vector<16xi32>
    %add3A_68 = arith.constant 16 : i32
    %add3A_69 = vector.broadcast %add3A_68 : i32 to vector<16xi32>
    %add3A_70 = arith.addi %iota3A_67, %add3A_69 : vector<16xi32>
    %swap3A_71 = arith.constant 16 : index
    %swap3A_72 = tpu.vector_load %arg13[%swap3A_71] {strides = array<i32>} : memref<160xi32, #tpu.memory_space<vmem>>, vector<16xi32>,
    tpu.vector_store %arg13[%swap3A_71], %add3A_70 {strides = array<i32>} : memref<160xi32, #tpu.memory_space<vmem>>, vector<16xi32>,
    %iota3A_73 = tpu.iota {dimensions = array<i32: 0>} : vector<16xi32>
    %add3A_74 = arith.constant 32 : i32
    %add3A_75 = vector.broadcast %add3A_74 : i32 to vector<16xi32>
    %add3A_76 = arith.addi %iota3A_73, %add3A_75 : vector<16xi32>
    %swap3A_77 = arith.constant 32 : index
    %swap3A_78 = tpu.vector_load %arg13[%swap3A_77] {strides = array<i32>} : memref<160xi32, #tpu.memory_space<vmem>>, vector<16xi32>,
    tpu.vector_store %arg13[%swap3A_77], %add3A_76 {strides = array<i32>} : memref<160xi32, #tpu.memory_space<vmem>>, vector<16xi32>,
    %iota3A_79 = tpu.iota {dimensions = array<i32: 0>} : vector<16xi32>
    %add3A_80 = arith.constant 48 : i32
    %add3A_81 = vector.broadcast %add3A_80 : i32 to vector<16xi32>
    %add3A_82 = arith.addi %iota3A_79, %add3A_81 : vector<16xi32>
    %swap3A_83 = arith.constant 48 : index
    %swap3A_84 = tpu.vector_load %arg13[%swap3A_83] {strides = array<i32>} : memref<160xi32, #tpu.memory_space<vmem>>, vector<16xi32>,
    tpu.vector_store %arg13[%swap3A_83], %add3A_82 {strides = array<i32>} : memref<160xi32, #tpu.memory_space<vmem>>, vector<16xi32>,
    %iota3A_85 = tpu.iota {dimensions = array<i32: 0>} : vector<16xi32>
    %add3A_86 = arith.constant 64 : i32
    %add3A_87 = vector.broadcast %add3A_86 : i32 to vector<16xi32>
    %add3A_88 = arith.addi %iota3A_85, %add3A_87 : vector<16xi32>
    %swap3A_89 = arith.constant 64 : index
    %swap3A_90 = tpu.vector_load %arg13[%swap3A_89] {strides = array<i32>} : memref<160xi32, #tpu.memory_space<vmem>>, vector<16xi32>,
    tpu.vector_store %arg13[%swap3A_89], %add3A_88 {strides = array<i32>} : memref<160xi32, #tpu.memory_space<vmem>>, vector<16xi32>,
    %iota3A_91 = tpu.iota {dimensions = array<i32: 0>} : vector<16xi32>
    %add3A_92 = arith.constant 80 : i32
    %add3A_93 = vector.broadcast %add3A_92 : i32 to vector<16xi32>
    %add3A_94 = arith.addi %iota3A_91, %add3A_93 : vector<16xi32>
    %swap3A_95 = arith.constant 80 : index
    %swap3A_96 = tpu.vector_load %arg13[%swap3A_95] {strides = array<i32>} : memref<160xi32, #tpu.memory_space<vmem>>, vector<16xi32>,
    tpu.vector_store %arg13[%swap3A_95], %add3A_94 {strides = array<i32>} : memref<160xi32, #tpu.memory_space<vmem>>, vector<16xi32>,
    %iota3A_97 = tpu.iota {dimensions = array<i32: 0>} : vector<16xi32>
    %add3A_98 = arith.constant 96 : i32
    %add3A_99 = vector.broadcast %add3A_98 : i32 to vector<16xi32>
    %add3A_100 = arith.addi %iota3A_97, %add3A_99 : vector<16xi32>
    %swap3A_101 = arith.constant 96 : index
    %swap3A_102 = tpu.vector_load %arg13[%swap3A_101] {strides = array<i32>} : memref<160xi32, #tpu.memory_space<vmem>>, vector<16xi32>,
    tpu.vector_store %arg13[%swap3A_101], %add3A_100 {strides = array<i32>} : memref<160xi32, #tpu.memory_space<vmem>>, vector<16xi32>,
    %iota3A_103 = tpu.iota {dimensions = array<i32: 0>} : vector<16xi32>
    %add3A_104 = arith.constant 112 : i32
    %add3A_105 = vector.broadcast %add3A_104 : i32 to vector<16xi32>
    %add3A_106 = arith.addi %iota3A_103, %add3A_105 : vector<16xi32>
    %swap3A_107 = arith.constant 112 : index
    %swap3A_108 = tpu.vector_load %arg13[%swap3A_107] {strides = array<i32>} : memref<160xi32, #tpu.memory_space<vmem>>, vector<16xi32>,
    tpu.vector_store %arg13[%swap3A_107], %add3A_106 {strides = array<i32>} : memref<160xi32, #tpu.memory_space<vmem>>, vector<16xi32>,
    %iota3A_109 = tpu.iota {dimensions = array<i32: 0>} : vector<16xi32>
    %add3A_110 = arith.constant 128 : i32
    %add3A_111 = vector.broadcast %add3A_110 : i32 to vector<16xi32>
    %add3A_112 = arith.addi %iota3A_109, %add3A_111 : vector<16xi32>
    %swap3A_113 = arith.constant 128 : index
    %swap3A_114 = tpu.vector_load %arg13[%swap3A_113] {strides = array<i32>} : memref<160xi32, #tpu.memory_space<vmem>>, vector<16xi32>,
    tpu.vector_store %arg13[%swap3A_113], %add3A_112 {strides = array<i32>} : memref<160xi32, #tpu.memory_space<vmem>>, vector<16xi32>,
    %iota3A_115 = tpu.iota {dimensions = array<i32: 0>} : vector<16xi32>
    %add3A_116 = arith.constant 144 : i32
    %add3A_117 = vector.broadcast %add3A_116 : i32 to vector<16xi32>
    %add3A_118 = arith.addi %iota3A_115, %add3A_117 : vector<16xi32>
    %swap3A_119 = arith.constant 144 : index
    %swap3A_120 = tpu.vector_load %arg13[%swap3A_119] {strides = array<i32>} : memref<160xi32, #tpu.memory_space<vmem>>, vector<16xi32>,
    tpu.vector_store %arg13[%swap3A_119], %add3A_118 {strides = array<i32>} : memref<160xi32, #tpu.memory_space<vmem>>, vector<16xi32>,
    %scan3A = arith.constant 0 : i32
    %scan3A_121 = arith.constant 0 : i32
    %scan3A_122 = arith.constant 64 : i32
    %scan3A_123 = arith.addi %scan3A_121, %scan3A_122 : i32
    %scan3A_124 = arith.constant 1 : i32
    scf.for %scan3A_126 = %scan3A_121 to %scan3A_123 step %scan3A_124  : i32 {
      %mul3A_127 = arith.constant 2 : i32
      %mul3A_128 = arith.muli %mul3A_127, %scan3A_126 : i32
      %add3A_129 = arith.addi %mul3A_2, %mul3A_128 : i32
      %add3A_130 = arith.constant 1 : i32
      %add3A_131 = arith.addi %add3A_129, %add3A_130 : i32
      "tpu.region"() ({
        %run_scoped3A = tpu.sem_alloc : memref<!tpu.dma_semaphore, #tpu.memory_space<semaphore_mem>>
        %dma_start3A_359 = arith.constant 0 : i32
        %dma_start3A_360 = tpu.memref_slice %arg2[%add3A_129, %dma_start3A_359] : memref<4096x2048xf32, #tpu.memory_space<hbm>> -> memref<1x2048xf32, #tpu.memory_space<hbm>>
        %dma_start3A_361 = tpu.memref_squeeze %dma_start3A_360 : memref<1x2048xf32, #tpu.memory_space<hbm>> -> memref<2048xf32, #tpu.memory_space<hbm>>
        %dma_start3A_362 = arith.constant 0 : i32
        %dma_start3A_363 = tpu.memref_slice %arg2[%add3A_129, %dma_start3A_362] : memref<4096x2048xf32, #tpu.memory_space<hbm>> -> memref<1x2048xf32, #tpu.memory_space<hbm>>
        %dma_start3A_364 = tpu.memref_squeeze %dma_start3A_363 : memref<1x2048xf32, #tpu.memory_space<hbm>> -> memref<2048xf32, #tpu.memory_space<hbm>>
        tpu.enqueue_dma source(%dma_start3A_364 : memref<2048xf32, #tpu.memory_space<hbm>>) target(%arg10 : memref<2048xf32, #tpu.memory_space<vmem>>) target_semaphore(%run_scoped3A : memref<!tpu.dma_semaphore, #tpu.memory_space<semaphore_mem>>)
        %dma_wait3A_365 = arith.constant 0 : i32
        %dma_wait3A_366 = tpu.memref_slice %arg2[%add3A_129, %dma_wait3A_365] : memref<4096x2048xf32, #tpu.memory_space<hbm>> -> memref<1x2048xf32, #tpu.memory_space<hbm>>
        %dma_wait3A_367 = tpu.memref_squeeze %dma_wait3A_366 : memref<1x2048xf32, #tpu.memory_space<hbm>> -> memref<2048xf32, #tpu.memory_space<hbm>>
        %dma_wait3A_368 = arith.constant 0 : i32
        %dma_wait3A_369 = tpu.memref_slice %arg2[%add3A_129, %dma_wait3A_368] : memref<4096x2048xf32, #tpu.memory_space<hbm>> -> memref<1x2048xf32, #tpu.memory_space<hbm>>
        %dma_wait3A_370 = tpu.memref_squeeze %dma_wait3A_369 : memref<1x2048xf32, #tpu.memory_space<hbm>> -> memref<2048xf32, #tpu.memory_space<hbm>>
        tpu.wait_dma2 semaphore(%run_scoped3A : memref<!tpu.dma_semaphore, #tpu.memory_space<semaphore_mem>>) src(%dma_wait3A_370 : memref<2048xf32, #tpu.memory_space<hbm>>) dst(%arg10 : memref<2048xf32, #tpu.memory_space<vmem>>)
        tpu.yield
      }) : () -> ()
      %scan3A_132 = arith.constant 0 : i32
      %scan3A_133 = arith.constant 0 : i32
      %scan3A_134 = arith.constant 0 : i32
      %scan3A_135 = arith.constant 0 : i32
      %scan3A_136 = arith.constant 128 : i32
      %scan3A_137 = arith.addi %scan3A_135, %scan3A_136 : i32
      %scan3A_138 = arith.constant 1 : i32
      %scan3A_139:3 = scf.for %scan3A_359 = %scan3A_135 to %scan3A_137 step %scan3A_138 iter_args(%scan3A_360 = %scan3A_132, %scan3A_361 = %scan3A_133, %scan3A_362 = %scan3A_134) -> (i32, i32, i32)  : i32 {
        %mul3A_363 = arith.constant 16 : i32
        %mul3A_364 = arith.muli %scan3A_359, %mul3A_363 : i32
        %get3A_365 = arith.index_cast %mul3A_364 : i32 to index
        %get3A_366 = tpu.vector_load %arg10[%get3A_365] {strides = array<i32>} : memref<2048xf32, #tpu.memory_space<vmem>>, vector<16xf32>,
        %iota3A_367 = tpu.iota {dimensions = array<i32: 0>} : vector<16xi32>
        %mul3A_368 = arith.constant 16 : i32
        %mul3A_369 = arith.muli %scan3A_359, %mul3A_368 : i32
        %add3A_370 = vector.broadcast %mul3A_369 : i32 to vector<16xi32>
        %add3A_371 = arith.addi %iota3A_367, %add3A_370 : vector<16xi32>
        %le3A = arith.constant 0.00999999977 : f32
        %le3A_372 = vector.broadcast %le3A : f32 to vector<16xf32>
        %le3A_373 = arith.cmpf ole, %get3A_366, %le3A_372 : vector<16xf32>
        %le3A_374 = arith.constant 4.000000e-02 : f32
        %le3A_375 = vector.broadcast %le3A_374 : f32 to vector<16xf32>
        %le3A_376 = arith.cmpf ole, %get3A_366, %le3A_375 : vector<16xf32>
        %le3A_377 = arith.constant 1.600000e-01 : f32
        %le3A_378 = vector.broadcast %le3A_377 : f32 to vector<16xf32>
        %le3A_379 = arith.cmpf ole, %get3A_366, %le3A_378 : vector<16xf32>
        %min3A = arith.constant 128 : i32
        %min3A_380 = arith.minsi %scan3A_362, %min3A : i32
        %swap3A_381 = arith.index_cast %min3A_380 : i32 to index
        %swap3A_382 = tpu.vector_load %arg13[%swap3A_381] masked %le3A_379 {strides = array<i32>} : memref<160xi32, #tpu.memory_space<vmem>>, vector<16xi32>, vector<16xi1>
        tpu.vector_store %arg13[%swap3A_381], %add3A_371 masked %le3A_379 {strides = array<i32>} : memref<160xi32, #tpu.memory_space<vmem>>, vector<16xi32>, vector<16xi1>
        %min3A_383 = arith.constant 32 : i32
        %min3A_384 = arith.minsi %scan3A_361, %min3A_383 : i32
        %swap3A_385 = arith.index_cast %min3A_384 : i32 to index
        %swap3A_386 = tpu.vector_load %arg12[%swap3A_385] masked %le3A_376 {strides = array<i32>} : memref<64xi32, #tpu.memory_space<vmem>>, vector<16xi32>, vector<16xi1>
        tpu.vector_store %arg12[%swap3A_385], %add3A_371 masked %le3A_376 {strides = array<i32>} : memref<64xi32, #tpu.memory_space<vmem>>, vector<16xi32>, vector<16xi1>
        %min3A_387 = arith.constant 16 : i32
        %min3A_388 = arith.minsi %scan3A_360, %min3A_387 : i32
        %swap3A_389 = arith.index_cast %min3A_388 : i32 to index
        %swap3A_390 = tpu.vector_load %arg11[%swap3A_389] masked %le3A_373 {strides = array<i32>} : memref<48xi32, #tpu.memory_space<vmem>>, vector<16xi32>, vector<16xi1>
        tpu.vector_store %arg11[%swap3A_389], %add3A_371 masked %le3A_373 {strides = array<i32>} : memref<48xi32, #tpu.memory_space<vmem>>, vector<16xi32>, vector<16xi1>
        %convert_element_type3A_391 = arith.extui %le3A_373 : vector<16xi1> to vector<16xi32>
        %reduce_sum3A = arith.constant true
        %reduce_sum3A_392 = vector.broadcast %reduce_sum3A : i1 to vector<16xi1>
        %reduce_sum3A_393 = tpu.scan <sum>, %convert_element_type3A_391 masked %reduce_sum3A_392 : vector<16xi32>, vector<16xi1> -> vector<16xi32>
        %reduce_sum3A_394 = vector.extract %reduce_sum3A_393[15] : i32 from vector<16xi32>
        %add3A_395 = arith.addi %scan3A_360, %reduce_sum3A_394 : i32
        %convert_element_type3A_396 = arith.extui %le3A_376 : vector<16xi1> to vector<16xi32>
        %reduce_sum3A_397 = arith.constant true
        %reduce_sum3A_398 = vector.broadcast %reduce_sum3A_397 : i1 to vector<16xi1>
        %reduce_sum3A_399 = tpu.scan <sum>, %convert_element_type3A_396 masked %reduce_sum3A_398 : vector<16xi32>, vector<16xi1> -> vector<16xi32>
        %reduce_sum3A_400 = vector.extract %reduce_sum3A_399[15] : i32 from vector<16xi32>
        %add3A_401 = arith.addi %scan3A_361, %reduce_sum3A_400 : i32
        %convert_element_type3A_402 = arith.extui %le3A_379 : vector<16xi1> to vector<16xi32>
        %reduce_sum3A_403 = arith.constant true
        %reduce_sum3A_404 = vector.broadcast %reduce_sum3A_403 : i1 to vector<16xi1>
        %reduce_sum3A_405 = tpu.scan <sum>, %convert_element_type3A_402 masked %reduce_sum3A_404 : vector<16xi32>, vector<16xi1> -> vector<16xi32>
        %reduce_sum3A_406 = vector.extract %reduce_sum3A_405[15] : i32 from vector<16xi32>
        %add3A_407 = arith.addi %scan3A_362, %reduce_sum3A_406 : i32
        scf.yield %add3A_395, %add3A_401, %add3A_407 : i32, i32, i32
      }
      %scan3A_140 = arith.constant 128 : i32
      %iota3A_141 = tpu.iota {dimensions = array<i32: 0>} : vector<16xi32>
      %eq3A = arith.constant 0 : i32
      %eq3A_142 = vector.broadcast %eq3A : i32 to vector<16xi32>
      %eq3A_143 = arith.cmpi eq, %iota3A_141, %eq3A_142 : vector<16xi32>
      %convert_element_type3A = arith.extui %eq3A_143 : vector<16xi1> to vector<16xi32>
      %mul3A_144 = vector.broadcast %scan3A_139#0 : i32 to vector<16xi32>
      %mul3A_145 = arith.muli %convert_element_type3A, %mul3A_144 : vector<16xi32>
      %eq3A_146 = arith.constant 1 : i32
      %eq3A_147 = vector.broadcast %eq3A_146 : i32 to vector<16xi32>
      %eq3A_148 = arith.cmpi eq, %iota3A_141, %eq3A_147 : vector<16xi32>
      %convert_element_type3A_149 = arith.extui %eq3A_148 : vector<16xi1> to vector<16xi32>
      %mul3A_150 = vector.broadcast %scan3A_139#1 : i32 to vector<16xi32>
      %mul3A_151 = arith.muli %convert_element_type3A_149, %mul3A_150 : vector<16xi32>
      %add3A_152 = arith.addi %mul3A_145, %mul3A_151 : vector<16xi32>
      %eq3A_153 = arith.constant 2 : i32
      %eq3A_154 = vector.broadcast %eq3A_153 : i32 to vector<16xi32>
      %eq3A_155 = arith.cmpi eq, %iota3A_141, %eq3A_154 : vector<16xi32>
      %convert_element_type3A_156 = arith.extui %eq3A_155 : vector<16xi1> to vector<16xi32>
      %mul3A_157 = vector.broadcast %scan3A_139#2 : i32 to vector<16xi32>
      %mul3A_158 = arith.muli %convert_element_type3A_156, %mul3A_157 : vector<16xi32>
      %add3A_159 = arith.addi %add3A_152, %mul3A_158 : vector<16xi32>
      %swap3A_160 = arith.constant 0 : index
      %swap3A_161 = tpu.vector_load %arg20[%swap3A_160] {strides = array<i32>} : memref<16xi32, #tpu.memory_space<vmem>>, vector<16xi32>,
      tpu.vector_store %arg20[%swap3A_160], %add3A_159 {strides = array<i32>} : memref<16xi32, #tpu.memory_space<vmem>>, vector<16xi32>,
      "tpu.region"() ({
        %run_scoped3A = tpu.sem_alloc : memref<!tpu.dma_semaphore, #tpu.memory_space<semaphore_mem>>
        %dma_start3A_359 = arith.constant 0 : i32
        %dma_start3A_360 = tpu.memref_slice %arg9[%add3A_129, %dma_start3A_359] : memref<4096x16xi32, #tpu.memory_space<hbm>> -> memref<1x16xi32, #tpu.memory_space<hbm>>
        %dma_start3A_361 = tpu.memref_squeeze %dma_start3A_360 : memref<1x16xi32, #tpu.memory_space<hbm>> -> memref<16xi32, #tpu.memory_space<hbm>>
        %dma_start3A_362 = arith.constant 0 : i32
        %dma_start3A_363 = tpu.memref_slice %arg9[%add3A_129, %dma_start3A_362] : memref<4096x16xi32, #tpu.memory_space<hbm>> -> memref<1x16xi32, #tpu.memory_space<hbm>>
        %dma_start3A_364 = tpu.memref_squeeze %dma_start3A_363 : memref<1x16xi32, #tpu.memory_space<hbm>> -> memref<16xi32, #tpu.memory_space<hbm>>
        tpu.enqueue_dma source(%arg20 : memref<16xi32, #tpu.memory_space<vmem>>) target(%dma_start3A_364 : memref<16xi32, #tpu.memory_space<hbm>>) target_semaphore(%run_scoped3A : memref<!tpu.dma_semaphore, #tpu.memory_space<semaphore_mem>>)
        %dma_wait3A_365 = arith.constant 0 : i32
        %dma_wait3A_366 = tpu.memref_slice %arg9[%add3A_129, %dma_wait3A_365] : memref<4096x16xi32, #tpu.memory_space<hbm>> -> memref<1x16xi32, #tpu.memory_space<hbm>>
        %dma_wait3A_367 = tpu.memref_squeeze %dma_wait3A_366 : memref<1x16xi32, #tpu.memory_space<hbm>> -> memref<16xi32, #tpu.memory_space<hbm>>
        %dma_wait3A_368 = arith.constant 0 : i32
        %dma_wait3A_369 = tpu.memref_slice %arg9[%add3A_129, %dma_wait3A_368] : memref<4096x16xi32, #tpu.memory_space<hbm>> -> memref<1x16xi32, #tpu.memory_space<hbm>>
        %dma_wait3A_370 = tpu.memref_squeeze %dma_wait3A_369 : memref<1x16xi32, #tpu.memory_space<hbm>> -> memref<16xi32, #tpu.memory_space<hbm>>
        tpu.wait_dma2 semaphore(%run_scoped3A : memref<!tpu.dma_semaphore, #tpu.memory_space<semaphore_mem>>) src(%arg20 : memref<16xi32, #tpu.memory_space<vmem>>) dst(%dma_wait3A_370 : memref<16xi32, #tpu.memory_space<hbm>>)
        tpu.yield
      }) : () -> ()
      %get3A = arith.constant 0 : index
      %get3A_162 = tpu.vector_load %arg11[%get3A] {strides = array<i32>} : memref<48xi32, #tpu.memory_space<vmem>>, vector<16xi32>,
      %add3A_163 = vector.broadcast %mul3A_20 : i32 to vector<16xi32>
      %add3A_164 = arith.addi %get3A_162, %add3A_163 : vector<16xi32>
      %swap3A_165 = arith.constant 0 : index
      %swap3A_166 = tpu.vector_load %arg14[%swap3A_165] {strides = array<i32>} : memref<16xi32, #tpu.memory_space<vmem>>, vector<16xi32>,
      tpu.vector_store %arg14[%swap3A_165], %add3A_164 {strides = array<i32>} : memref<16xi32, #tpu.memory_space<vmem>>, vector<16xi32>,
      %get3A_167 = arith.constant 0 : index
      %get3A_168 = tpu.vector_load %arg12[%get3A_167] {strides = array<i32>} : memref<64xi32, #tpu.memory_space<vmem>>, vector<16xi32>,
      %add3A_169 = vector.broadcast %mul3A_20 : i32 to vector<16xi32>
      %add3A_170 = arith.addi %get3A_168, %add3A_169 : vector<16xi32>
      %swap3A_171 = arith.constant 0 : index
      %swap3A_172 = tpu.vector_load %arg15[%swap3A_171] {strides = array<i32>} : memref<32xi32, #tpu.memory_space<vmem>>, vector<16xi32>,
      tpu.vector_store %arg15[%swap3A_171], %add3A_170 {strides = array<i32>} : memref<32xi32, #tpu.memory_space<vmem>>, vector<16xi32>,
      %get3A_173 = arith.constant 16 : index
      %get3A_174 = tpu.vector_load %arg12[%get3A_173] {strides = array<i32>} : memref<64xi32, #tpu.memory_space<vmem>>, vector<16xi32>,
      %add3A_175 = vector.broadcast %mul3A_20 : i32 to vector<16xi32>
      %add3A_176 = arith.addi %get3A_174, %add3A_175 : vector<16xi32>
      %swap3A_177 = arith.constant 16 : index
      %swap3A_178 = tpu.vector_load %arg15[%swap3A_177] {strides = array<i32>} : memref<32xi32, #tpu.memory_space<vmem>>, vector<16xi32>,
      tpu.vector_store %arg15[%swap3A_177], %add3A_176 {strides = array<i32>} : memref<32xi32, #tpu.memory_space<vmem>>, vector<16xi32>,
      %get3A_179 = arith.constant 0 : index
      %get3A_180 = tpu.vector_load %arg13[%get3A_179] {strides = array<i32>} : memref<160xi32, #tpu.memory_space<vmem>>, vector<16xi32>,
      %add3A_181 = vector.broadcast %mul3A_20 : i32 to vector<16xi32>
      %add3A_182 = arith.addi %get3A_180, %add3A_181 : vector<16xi32>
      %swap3A_183 = arith.constant 0 : index
      %swap3A_184 = tpu.vector_load %arg16[%swap3A_183] {strides = array<i32>} : memref<128xi32, #tpu.memory_space<vmem>>, vector<16xi32>,
      tpu.vector_store %arg16[%swap3A_183], %add3A_182 {strides = array<i32>} : memref<128xi32, #tpu.memory_space<vmem>>, vector<16xi32>,
      %get3A_185 = arith.constant 16 : index
      %get3A_186 = tpu.vector_load %arg13[%get3A_185] {strides = array<i32>} : memref<160xi32, #tpu.memory_space<vmem>>, vector<16xi32>,
      %add3A_187 = vector.broadcast %mul3A_20 : i32 to vector<16xi32>
      %add3A_188 = arith.addi %get3A_186, %add3A_187 : vector<16xi32>
      %swap3A_189 = arith.constant 16 : index
      %swap3A_190 = tpu.vector_load %arg16[%swap3A_189] {strides = array<i32>} : memref<128xi32, #tpu.memory_space<vmem>>, vector<16xi32>,
      tpu.vector_store %arg16[%swap3A_189], %add3A_188 {strides = array<i32>} : memref<128xi32, #tpu.memory_space<vmem>>, vector<16xi32>,
      %get3A_191 = arith.constant 32 : index
      %get3A_192 = tpu.vector_load %arg13[%get3A_191] {strides = array<i32>} : memref<160xi32, #tpu.memory_space<vmem>>, vector<16xi32>,
      %add3A_193 = vector.broadcast %mul3A_20 : i32 to vector<16xi32>
      %add3A_194 = arith.addi %get3A_192, %add3A_193 : vector<16xi32>
      %swap3A_195 = arith.constant 32 : index
      %swap3A_196 = tpu.vector_load %arg16[%swap3A_195] {strides = array<i32>} : memref<128xi32, #tpu.memory_space<vmem>>, vector<16xi32>,
      tpu.vector_store %arg16[%swap3A_195], %add3A_194 {strides = array<i32>} : memref<128xi32, #tpu.memory_space<vmem>>, vector<16xi32>,
      %get3A_197 = arith.constant 48 : index
      %get3A_198 = tpu.vector_load %arg13[%get3A_197] {strides = array<i32>} : memref<160xi32, #tpu.memory_space<vmem>>, vector<16xi32>,
      %add3A_199 = vector.broadcast %mul3A_20 : i32 to vector<16xi32>
      %add3A_200 = arith.addi %get3A_198, %add3A_199 : vector<16xi32>
      %swap3A_201 = arith.constant 48 : index
      %swap3A_202 = tpu.vector_load %arg16[%swap3A_201] {strides = array<i32>} : memref<128xi32, #tpu.memory_space<vmem>>, vector<16xi32>,
      tpu.vector_store %arg16[%swap3A_201], %add3A_200 {strides = array<i32>} : memref<128xi32, #tpu.memory_space<vmem>>, vector<16xi32>,
      %get3A_203 = arith.constant 64 : index
      %get3A_204 = tpu.vector_load %arg13[%get3A_203] {strides = array<i32>} : memref<160xi32, #tpu.memory_space<vmem>>, vector<16xi32>,
      %add3A_205 = vector.broadcast %mul3A_20 : i32 to vector<16xi32>
      %add3A_206 = arith.addi %get3A_204, %add3A_205 : vector<16xi32>
      %swap3A_207 = arith.constant 64 : index
      %swap3A_208 = tpu.vector_load %arg16[%swap3A_207] {strides = array<i32>} : memref<128xi32, #tpu.memory_space<vmem>>, vector<16xi32>,
      tpu.vector_store %arg16[%swap3A_207], %add3A_206 {strides = array<i32>} : memref<128xi32, #tpu.memory_space<vmem>>, vector<16xi32>,
      %get3A_209 = arith.constant 80 : index
      %get3A_210 = tpu.vector_load %arg13[%get3A_209] {strides = array<i32>} : memref<160xi32, #tpu.memory_space<vmem>>, vector<16xi32>,
      %add3A_211 = vector.broadcast %mul3A_20 : i32 to vector<16xi32>
      %add3A_212 = arith.addi %get3A_210, %add3A_211 : vector<16xi32>
      %swap3A_213 = arith.constant 80 : index
      %swap3A_214 = tpu.vector_load %arg16[%swap3A_213] {strides = array<i32>} : memref<128xi32, #tpu.memory_space<vmem>>, vector<16xi32>,
      tpu.vector_store %arg16[%swap3A_213], %add3A_212 {strides = array<i32>} : memref<128xi32, #tpu.memory_space<vmem>>, vector<16xi32>,
      %get3A_215 = arith.constant 96 : index
      %get3A_216 = tpu.vector_load %arg13[%get3A_215] {strides = array<i32>} : memref<160xi32, #tpu.memory_space<vmem>>, vector<16xi32>,
      %add3A_217 = vector.broadcast %mul3A_20 : i32 to vector<16xi32>
      %add3A_218 = arith.addi %get3A_216, %add3A_217 : vector<16xi32>
      %swap3A_219 = arith.constant 96 : index
      %swap3A_220 = tpu.vector_load %arg16[%swap3A_219] {strides = array<i32>} : memref<128xi32, #tpu.memory_space<vmem>>, vector<16xi32>,
      tpu.vector_store %arg16[%swap3A_219], %add3A_218 {strides = array<i32>} : memref<128xi32, #tpu.memory_space<vmem>>, vector<16xi32>,
      %get3A_221 = arith.constant 112 : index
      %get3A_222 = tpu.vector_load %arg13[%get3A_221] {strides = array<i32>} : memref<160xi32, #tpu.memory_space<vmem>>, vector<16xi32>,
      %add3A_223 = vector.broadcast %mul3A_20 : i32 to vector<16xi32>
      %add3A_224 = arith.addi %get3A_222, %add3A_223 : vector<16xi32>
      %swap3A_225 = arith.constant 112 : index
      %swap3A_226 = tpu.vector_load %arg16[%swap3A_225] {strides = array<i32>} : memref<128xi32, #tpu.memory_space<vmem>>, vector<16xi32>,
      tpu.vector_store %arg16[%swap3A_225], %add3A_224 {strides = array<i32>} : memref<128xi32, #tpu.memory_space<vmem>>, vector<16xi32>,
      %dma_start3A = arith.constant 0 : i32
      %dma_start3A_227 = arith.constant 0 : i32
      %dma_start3A_228 = tpu.memref_slice %arg3[%dma_start3A, %dma_start3A_227] : memref<16384x128xf32, #tpu.memory_space<hbm>> -> memref<16384x128xf32, #tpu.memory_space<hbm>>
      tpu.enqueue_indirect_dma source(%dma_start3A_228 : memref<16384x128xf32, #tpu.memory_space<hbm>>) target(%arg21 : memref<16x128xf32, #tpu.memory_space<vmem>>) offsets(%arg14 : memref<16xi32, #tpu.memory_space<vmem>>) semaphore(%arg24 : memref<!tpu.dma_semaphore, #tpu.memory_space<semaphore_mem>>)
      %dma_start3A_229 = arith.constant 0 : i32
      %dma_start3A_230 = arith.constant 0 : i32
      %dma_start3A_231 = tpu.memref_slice %arg4[%dma_start3A_229, %dma_start3A_230] : memref<16384x128xf32, #tpu.memory_space<hbm>> -> memref<16384x128xf32, #tpu.memory_space<hbm>>
      tpu.enqueue_indirect_dma source(%dma_start3A_231 : memref<16384x128xf32, #tpu.memory_space<hbm>>) target(%arg22 : memref<32x128xf32, #tpu.memory_space<vmem>>) offsets(%arg15 : memref<32xi32, #tpu.memory_space<vmem>>) semaphore(%arg25 : memref<!tpu.dma_semaphore, #tpu.memory_space<semaphore_mem>>)
      %dma_start3A_232 = arith.constant 0 : i32
      %dma_start3A_233 = arith.constant 0 : i32
      %dma_start3A_234 = tpu.memref_slice %arg5[%dma_start3A_232, %dma_start3A_233] : memref<16384x128xf32, #tpu.memory_space<hbm>> -> memref<16384x128xf32, #tpu.memory_space<hbm>>
      tpu.enqueue_indirect_dma source(%dma_start3A_234 : memref<16384x128xf32, #tpu.memory_space<hbm>>) target(%arg23 : memref<128x128xf32, #tpu.memory_space<vmem>>) offsets(%arg16 : memref<128xi32, #tpu.memory_space<vmem>>) semaphore(%arg26 : memref<!tpu.dma_semaphore, #tpu.memory_space<semaphore_mem>>)
      "tpu.region"() ({
        %run_scoped3A = tpu.sem_alloc : memref<!tpu.dma_semaphore, #tpu.memory_space<semaphore_mem>>
        %dma_start3A_359 = arith.constant 0 : i32
        %dma_start3A_360 = tpu.memref_slice %arg2[%add3A_131, %dma_start3A_359] : memref<4096x2048xf32, #tpu.memory_space<hbm>> -> memref<1x2048xf32, #tpu.memory_space<hbm>>
        %dma_start3A_361 = tpu.memref_squeeze %dma_start3A_360 : memref<1x2048xf32, #tpu.memory_space<hbm>> -> memref<2048xf32, #tpu.memory_space<hbm>>
        %dma_start3A_362 = arith.constant 0 : i32
        %dma_start3A_363 = tpu.memref_slice %arg2[%add3A_131, %dma_start3A_362] : memref<4096x2048xf32, #tpu.memory_space<hbm>> -> memref<1x2048xf32, #tpu.memory_space<hbm>>
        %dma_start3A_364 = tpu.memref_squeeze %dma_start3A_363 : memref<1x2048xf32, #tpu.memory_space<hbm>> -> memref<2048xf32, #tpu.memory_space<hbm>>
        tpu.enqueue_dma source(%dma_start3A_364 : memref<2048xf32, #tpu.memory_space<hbm>>) target(%arg10 : memref<2048xf32, #tpu.memory_space<vmem>>) target_semaphore(%run_scoped3A : memref<!tpu.dma_semaphore, #tpu.memory_space<semaphore_mem>>)
        %dma_wait3A_365 = arith.constant 0 : i32
        %dma_wait3A_366 = tpu.memref_slice %arg2[%add3A_131, %dma_wait3A_365] : memref<4096x2048xf32, #tpu.memory_space<hbm>> -> memref<1x2048xf32, #tpu.memory_space<hbm>>
        %dma_wait3A_367 = tpu.memref_squeeze %dma_wait3A_366 : memref<1x2048xf32, #tpu.memory_space<hbm>> -> memref<2048xf32, #tpu.memory_space<hbm>>
        %dma_wait3A_368 = arith.constant 0 : i32
        %dma_wait3A_369 = tpu.memref_slice %arg2[%add3A_131, %dma_wait3A_368] : memref<4096x2048xf32, #tpu.memory_space<hbm>> -> memref<1x2048xf32, #tpu.memory_space<hbm>>
        %dma_wait3A_370 = tpu.memref_squeeze %dma_wait3A_369 : memref<1x2048xf32, #tpu.memory_space<hbm>> -> memref<2048xf32, #tpu.memory_space<hbm>>
        tpu.wait_dma2 semaphore(%run_scoped3A : memref<!tpu.dma_semaphore, #tpu.memory_space<semaphore_mem>>) src(%dma_wait3A_370 : memref<2048xf32, #tpu.memory_space<hbm>>) dst(%arg10 : memref<2048xf32, #tpu.memory_space<vmem>>)
        tpu.yield
      }) : () -> ()
      %scan3A_235 = arith.constant 0 : i32
      %scan3A_236 = arith.constant 0 : i32
      %scan3A_237 = arith.constant 0 : i32
      %scan3A_238 = arith.constant 0 : i32
      %scan3A_239 = arith.constant 128 : i32
      %scan3A_240 = arith.addi %scan3A_238, %scan3A_239 : i32
      %scan3A_241 = arith.constant 1 : i32
      %scan3A_242:3 = scf.for %scan3A_359 = %scan3A_238 to %scan3A_240 step %scan3A_241 iter_args(%scan3A_360 = %scan3A_235, %scan3A_361 = %scan3A_236, %scan3A_362 = %scan3A_237) -> (i32, i32, i32)  : i32 {
        %mul3A_363 = arith.constant 16 : i32
        %mul3A_364 = arith.muli %scan3A_359, %mul3A_363 : i32
        %get3A_365 = arith.index_cast %mul3A_364 : i32 to index
        %get3A_366 = tpu.vector_load %arg10[%get3A_365] {strides = array<i32>} : memref<2048xf32, #tpu.memory_space<vmem>>, vector<16xf32>,
        %iota3A_367 = tpu.iota {dimensions = array<i32: 0>} : vector<16xi32>
        %mul3A_368 = arith.constant 16 : i32
        %mul3A_369 = arith.muli %scan3A_359, %mul3A_368 : i32
        %add3A_370 = vector.broadcast %mul3A_369 : i32 to vector<16xi32>
        %add3A_371 = arith.addi %iota3A_367, %add3A_370 : vector<16xi32>
        %le3A = arith.constant 0.00999999977 : f32
        %le3A_372 = vector.broadcast %le3A : f32 to vector<16xf32>
        %le3A_373 = arith.cmpf ole, %get3A_366, %le3A_372 : vector<16xf32>
        %le3A_374 = arith.constant 4.000000e-02 : f32
        %le3A_375 = vector.broadcast %le3A_374 : f32 to vector<16xf32>
        %le3A_376 = arith.cmpf ole, %get3A_366, %le3A_375 : vector<16xf32>
        %le3A_377 = arith.constant 1.600000e-01 : f32
        %le3A_378 = vector.broadcast %le3A_377 : f32 to vector<16xf32>
        %le3A_379 = arith.cmpf ole, %get3A_366, %le3A_378 : vector<16xf32>
        %min3A = arith.constant 128 : i32
        %min3A_380 = arith.minsi %scan3A_362, %min3A : i32
        %swap3A_381 = arith.index_cast %min3A_380 : i32 to index
        %swap3A_382 = tpu.vector_load %arg13[%swap3A_381] masked %le3A_379 {strides = array<i32>} : memref<160xi32, #tpu.memory_space<vmem>>, vector<16xi32>, vector<16xi1>
        tpu.vector_store %arg13[%swap3A_381], %add3A_371 masked %le3A_379 {strides = array<i32>} : memref<160xi32, #tpu.memory_space<vmem>>, vector<16xi32>, vector<16xi1>
        %min3A_383 = arith.constant 32 : i32
        %min3A_384 = arith.minsi %scan3A_361, %min3A_383 : i32
        %swap3A_385 = arith.index_cast %min3A_384 : i32 to index
        %swap3A_386 = tpu.vector_load %arg12[%swap3A_385] masked %le3A_376 {strides = array<i32>} : memref<64xi32, #tpu.memory_space<vmem>>, vector<16xi32>, vector<16xi1>
        tpu.vector_store %arg12[%swap3A_385], %add3A_371 masked %le3A_376 {strides = array<i32>} : memref<64xi32, #tpu.memory_space<vmem>>, vector<16xi32>, vector<16xi1>
        %min3A_387 = arith.constant 16 : i32
        %min3A_388 = arith.minsi %scan3A_360, %min3A_387 : i32
        %swap3A_389 = arith.index_cast %min3A_388 : i32 to index
        %swap3A_390 = tpu.vector_load %arg11[%swap3A_389] masked %le3A_373 {strides = array<i32>} : memref<48xi32, #tpu.memory_space<vmem>>, vector<16xi32>, vector<16xi1>
        tpu.vector_store %arg11[%swap3A_389], %add3A_371 masked %le3A_373 {strides = array<i32>} : memref<48xi32, #tpu.memory_space<vmem>>, vector<16xi32>, vector<16xi1>
        %convert_element_type3A_391 = arith.extui %le3A_373 : vector<16xi1> to vector<16xi32>
        %reduce_sum3A = arith.constant true
        %reduce_sum3A_392 = vector.broadcast %reduce_sum3A : i1 to vector<16xi1>
        %reduce_sum3A_393 = tpu.scan <sum>, %convert_element_type3A_391 masked %reduce_sum3A_392 : vector<16xi32>, vector<16xi1> -> vector<16xi32>
        %reduce_sum3A_394 = vector.extract %reduce_sum3A_393[15] : i32 from vector<16xi32>
        %add3A_395 = arith.addi %scan3A_360, %reduce_sum3A_394 : i32
        %convert_element_type3A_396 = arith.extui %le3A_376 : vector<16xi1> to vector<16xi32>
        %reduce_sum3A_397 = arith.constant true
        %reduce_sum3A_398 = vector.broadcast %reduce_sum3A_397 : i1 to vector<16xi1>
        %reduce_sum3A_399 = tpu.scan <sum>, %convert_element_type3A_396 masked %reduce_sum3A_398 : vector<16xi32>, vector<16xi1> -> vector<16xi32>
        %reduce_sum3A_400 = vector.extract %reduce_sum3A_399[15] : i32 from vector<16xi32>
        %add3A_401 = arith.addi %scan3A_361, %reduce_sum3A_400 : i32
        %convert_element_type3A_402 = arith.extui %le3A_379 : vector<16xi1> to vector<16xi32>
        %reduce_sum3A_403 = arith.constant true
        %reduce_sum3A_404 = vector.broadcast %reduce_sum3A_403 : i1 to vector<16xi1>
        %reduce_sum3A_405 = tpu.scan <sum>, %convert_element_type3A_402 masked %reduce_sum3A_404 : vector<16xi32>, vector<16xi1> -> vector<16xi32>
        %reduce_sum3A_406 = vector.extract %reduce_sum3A_405[15] : i32 from vector<16xi32>
        %add3A_407 = arith.addi %scan3A_362, %reduce_sum3A_406 : i32
        scf.yield %add3A_395, %add3A_401, %add3A_407 : i32, i32, i32
      }
      %scan3A_243 = arith.constant 128 : i32
      %iota3A_244 = tpu.iota {dimensions = array<i32: 0>} : vector<16xi32>
      %eq3A_245 = arith.constant 0 : i32
      %eq3A_246 = vector.broadcast %eq3A_245 : i32 to vector<16xi32>
      %eq3A_247 = arith.cmpi eq, %iota3A_244, %eq3A_246 : vector<16xi32>
      %convert_element_type3A_248 = arith.extui %eq3A_247 : vector<16xi1> to vector<16xi32>
      %mul3A_249 = vector.broadcast %scan3A_242#0 : i32 to vector<16xi32>
      %mul3A_250 = arith.muli %convert_element_type3A_248, %mul3A_249 : vector<16xi32>
      %eq3A_251 = arith.constant 1 : i32
      %eq3A_252 = vector.broadcast %eq3A_251 : i32 to vector<16xi32>
      %eq3A_253 = arith.cmpi eq, %iota3A_244, %eq3A_252 : vector<16xi32>
      %convert_element_type3A_254 = arith.extui %eq3A_253 : vector<16xi1> to vector<16xi32>
      %mul3A_255 = vector.broadcast %scan3A_242#1 : i32 to vector<16xi32>
      %mul3A_256 = arith.muli %convert_element_type3A_254, %mul3A_255 : vector<16xi32>
      %add3A_257 = arith.addi %mul3A_250, %mul3A_256 : vector<16xi32>
      %eq3A_258 = arith.constant 2 : i32
      %eq3A_259 = vector.broadcast %eq3A_258 : i32 to vector<16xi32>
      %eq3A_260 = arith.cmpi eq, %iota3A_244, %eq3A_259 : vector<16xi32>
      %convert_element_type3A_261 = arith.extui %eq3A_260 : vector<16xi1> to vector<16xi32>
      %mul3A_262 = vector.broadcast %scan3A_242#2 : i32 to vector<16xi32>
      %mul3A_263 = arith.muli %convert_element_type3A_261, %mul3A_262 : vector<16xi32>
      %add3A_264 = arith.addi %add3A_257, %mul3A_263 : vector<16xi32>
      %swap3A_265 = arith.constant 0 : index
      %swap3A_266 = tpu.vector_load %arg20[%swap3A_265] {strides = array<i32>} : memref<16xi32, #tpu.memory_space<vmem>>, vector<16xi32>,
      tpu.vector_store %arg20[%swap3A_265], %add3A_264 {strides = array<i32>} : memref<16xi32, #tpu.memory_space<vmem>>, vector<16xi32>,
      "tpu.region"() ({
        %run_scoped3A = tpu.sem_alloc : memref<!tpu.dma_semaphore, #tpu.memory_space<semaphore_mem>>
        %dma_start3A_359 = arith.constant 0 : i32
        %dma_start3A_360 = tpu.memref_slice %arg9[%add3A_131, %dma_start3A_359] : memref<4096x16xi32, #tpu.memory_space<hbm>> -> memref<1x16xi32, #tpu.memory_space<hbm>>
        %dma_start3A_361 = tpu.memref_squeeze %dma_start3A_360 : memref<1x16xi32, #tpu.memory_space<hbm>> -> memref<16xi32, #tpu.memory_space<hbm>>
        %dma_start3A_362 = arith.constant 0 : i32
        %dma_start3A_363 = tpu.memref_slice %arg9[%add3A_131, %dma_start3A_362] : memref<4096x16xi32, #tpu.memory_space<hbm>> -> memref<1x16xi32, #tpu.memory_space<hbm>>
        %dma_start3A_364 = tpu.memref_squeeze %dma_start3A_363 : memref<1x16xi32, #tpu.memory_space<hbm>> -> memref<16xi32, #tpu.memory_space<hbm>>
        tpu.enqueue_dma source(%arg20 : memref<16xi32, #tpu.memory_space<vmem>>) target(%dma_start3A_364 : memref<16xi32, #tpu.memory_space<hbm>>) target_semaphore(%run_scoped3A : memref<!tpu.dma_semaphore, #tpu.memory_space<semaphore_mem>>)
        %dma_wait3A_365 = arith.constant 0 : i32
        %dma_wait3A_366 = tpu.memref_slice %arg9[%add3A_131, %dma_wait3A_365] : memref<4096x16xi32, #tpu.memory_space<hbm>> -> memref<1x16xi32, #tpu.memory_space<hbm>>
        %dma_wait3A_367 = tpu.memref_squeeze %dma_wait3A_366 : memref<1x16xi32, #tpu.memory_space<hbm>> -> memref<16xi32, #tpu.memory_space<hbm>>
        %dma_wait3A_368 = arith.constant 0 : i32
        %dma_wait3A_369 = tpu.memref_slice %arg9[%add3A_131, %dma_wait3A_368] : memref<4096x16xi32, #tpu.memory_space<hbm>> -> memref<1x16xi32, #tpu.memory_space<hbm>>
        %dma_wait3A_370 = tpu.memref_squeeze %dma_wait3A_369 : memref<1x16xi32, #tpu.memory_space<hbm>> -> memref<16xi32, #tpu.memory_space<hbm>>
        tpu.wait_dma2 semaphore(%run_scoped3A : memref<!tpu.dma_semaphore, #tpu.memory_space<semaphore_mem>>) src(%arg20 : memref<16xi32, #tpu.memory_space<vmem>>) dst(%dma_wait3A_370 : memref<16xi32, #tpu.memory_space<hbm>>)
        tpu.yield
      }) : () -> ()
      %get3A_267 = arith.constant 0 : index
      %get3A_268 = tpu.vector_load %arg11[%get3A_267] {strides = array<i32>} : memref<48xi32, #tpu.memory_space<vmem>>, vector<16xi32>,
      %add3A_269 = vector.broadcast %mul3A_20 : i32 to vector<16xi32>
      %add3A_270 = arith.addi %get3A_268, %add3A_269 : vector<16xi32>
      %swap3A_271 = arith.constant 0 : index
      %swap3A_272 = tpu.vector_load %arg17[%swap3A_271] {strides = array<i32>} : memref<16xi32, #tpu.memory_space<vmem>>, vector<16xi32>,
      tpu.vector_store %arg17[%swap3A_271], %add3A_270 {strides = array<i32>} : memref<16xi32, #tpu.memory_space<vmem>>, vector<16xi32>,
      %get3A_273 = arith.constant 0 : index
      %get3A_274 = tpu.vector_load %arg12[%get3A_273] {strides = array<i32>} : memref<64xi32, #tpu.memory_space<vmem>>, vector<16xi32>,
      %add3A_275 = vector.broadcast %mul3A_20 : i32 to vector<16xi32>
      %add3A_276 = arith.addi %get3A_274, %add3A_275 : vector<16xi32>
      %swap3A_277 = arith.constant 0 : index
      %swap3A_278 = tpu.vector_load %arg18[%swap3A_277] {strides = array<i32>} : memref<32xi32, #tpu.memory_space<vmem>>, vector<16xi32>,
      tpu.vector_store %arg18[%swap3A_277], %add3A_276 {strides = array<i32>} : memref<32xi32, #tpu.memory_space<vmem>>, vector<16xi32>,
      %get3A_279 = arith.constant 16 : index
      %get3A_280 = tpu.vector_load %arg12[%get3A_279] {strides = array<i32>} : memref<64xi32, #tpu.memory_space<vmem>>, vector<16xi32>,
      %add3A_281 = vector.broadcast %mul3A_20 : i32 to vector<16xi32>
      %add3A_282 = arith.addi %get3A_280, %add3A_281 : vector<16xi32>
      %swap3A_283 = arith.constant 16 : index
      %swap3A_284 = tpu.vector_load %arg18[%swap3A_283] {strides = array<i32>} : memref<32xi32, #tpu.memory_space<vmem>>, vector<16xi32>,
      tpu.vector_store %arg18[%swap3A_283], %add3A_282 {strides = array<i32>} : memref<32xi32, #tpu.memory_space<vmem>>, vector<16xi32>,
      %get3A_285 = arith.constant 0 : index
      %get3A_286 = tpu.vector_load %arg13[%get3A_285] {strides = array<i32>} : memref<160xi32, #tpu.memory_space<vmem>>, vector<16xi32>,
      %add3A_287 = vector.broadcast %mul3A_20 : i32 to vector<16xi32>
      %add3A_288 = arith.addi %get3A_286, %add3A_287 : vector<16xi32>
      %swap3A_289 = arith.constant 0 : index
      %swap3A_290 = tpu.vector_load %arg19[%swap3A_289] {strides = array<i32>} : memref<128xi32, #tpu.memory_space<vmem>>, vector<16xi32>,
      tpu.vector_store %arg19[%swap3A_289], %add3A_288 {strides = array<i32>} : memref<128xi32, #tpu.memory_space<vmem>>, vector<16xi32>,
      %get3A_291 = arith.constant 16 : index
      %get3A_292 = tpu.vector_load %arg13[%get3A_291] {strides = array<i32>} : memref<160xi32, #tpu.memory_space<vmem>>, vector<16xi32>,
      %add3A_293 = vector.broadcast %mul3A_20 : i32 to vector<16xi32>
      %add3A_294 = arith.addi %get3A_292, %add3A_293 : vector<16xi32>
      %swap3A_295 = arith.constant 16 : index
      %swap3A_296 = tpu.vector_load %arg19[%swap3A_295] {strides = array<i32>} : memref<128xi32, #tpu.memory_space<vmem>>, vector<16xi32>,
      tpu.vector_store %arg19[%swap3A_295], %add3A_294 {strides = array<i32>} : memref<128xi32, #tpu.memory_space<vmem>>, vector<16xi32>,
      %get3A_297 = arith.constant 32 : index
      %get3A_298 = tpu.vector_load %arg13[%get3A_297] {strides = array<i32>} : memref<160xi32, #tpu.memory_space<vmem>>, vector<16xi32>,
      %add3A_299 = vector.broadcast %mul3A_20 : i32 to vector<16xi32>
      %add3A_300 = arith.addi %get3A_298, %add3A_299 : vector<16xi32>
      %swap3A_301 = arith.constant 32 : index
      %swap3A_302 = tpu.vector_load %arg19[%swap3A_301] {strides = array<i32>} : memref<128xi32, #tpu.memory_space<vmem>>, vector<16xi32>,
      tpu.vector_store %arg19[%swap3A_301], %add3A_300 {strides = array<i32>} : memref<128xi32, #tpu.memory_space<vmem>>, vector<16xi32>,
      %get3A_303 = arith.constant 48 : index
      %get3A_304 = tpu.vector_load %arg13[%get3A_303] {strides = array<i32>} : memref<160xi32, #tpu.memory_space<vmem>>, vector<16xi32>,
      %add3A_305 = vector.broadcast %mul3A_20 : i32 to vector<16xi32>
      %add3A_306 = arith.addi %get3A_304, %add3A_305 : vector<16xi32>
      %swap3A_307 = arith.constant 48 : index
      %swap3A_308 = tpu.vector_load %arg19[%swap3A_307] {strides = array<i32>} : memref<128xi32, #tpu.memory_space<vmem>>, vector<16xi32>,
      tpu.vector_store %arg19[%swap3A_307], %add3A_306 {strides = array<i32>} : memref<128xi32, #tpu.memory_space<vmem>>, vector<16xi32>,
      %get3A_309 = arith.constant 64 : index
      %get3A_310 = tpu.vector_load %arg13[%get3A_309] {strides = array<i32>} : memref<160xi32, #tpu.memory_space<vmem>>, vector<16xi32>,
      %add3A_311 = vector.broadcast %mul3A_20 : i32 to vector<16xi32>
      %add3A_312 = arith.addi %get3A_310, %add3A_311 : vector<16xi32>
      %swap3A_313 = arith.constant 64 : index
      %swap3A_314 = tpu.vector_load %arg19[%swap3A_313] {strides = array<i32>} : memref<128xi32, #tpu.memory_space<vmem>>, vector<16xi32>,
      tpu.vector_store %arg19[%swap3A_313], %add3A_312 {strides = array<i32>} : memref<128xi32, #tpu.memory_space<vmem>>, vector<16xi32>,
      %get3A_315 = arith.constant 80 : index
      %get3A_316 = tpu.vector_load %arg13[%get3A_315] {strides = array<i32>} : memref<160xi32, #tpu.memory_space<vmem>>, vector<16xi32>,
      %add3A_317 = vector.broadcast %mul3A_20 : i32 to vector<16xi32>
      %add3A_318 = arith.addi %get3A_316, %add3A_317 : vector<16xi32>
      %swap3A_319 = arith.constant 80 : index
      %swap3A_320 = tpu.vector_load %arg19[%swap3A_319] {strides = array<i32>} : memref<128xi32, #tpu.memory_space<vmem>>, vector<16xi32>,
      tpu.vector_store %arg19[%swap3A_319], %add3A_318 {strides = array<i32>} : memref<128xi32, #tpu.memory_space<vmem>>, vector<16xi32>,
      %get3A_321 = arith.constant 96 : index
      %get3A_322 = tpu.vector_load %arg13[%get3A_321] {strides = array<i32>} : memref<160xi32, #tpu.memory_space<vmem>>, vector<16xi32>,
      %add3A_323 = vector.broadcast %mul3A_20 : i32 to vector<16xi32>
      %add3A_324 = arith.addi %get3A_322, %add3A_323 : vector<16xi32>
      %swap3A_325 = arith.constant 96 : index
      %swap3A_326 = tpu.vector_load %arg19[%swap3A_325] {strides = array<i32>} : memref<128xi32, #tpu.memory_space<vmem>>, vector<16xi32>,
      tpu.vector_store %arg19[%swap3A_325], %add3A_324 {strides = array<i32>} : memref<128xi32, #tpu.memory_space<vmem>>, vector<16xi32>,
      %get3A_327 = arith.constant 112 : index
      %get3A_328 = tpu.vector_load %arg13[%get3A_327] {strides = array<i32>} : memref<160xi32, #tpu.memory_space<vmem>>, vector<16xi32>,
      %add3A_329 = vector.broadcast %mul3A_20 : i32 to vector<16xi32>
      %add3A_330 = arith.addi %get3A_328, %add3A_329 : vector<16xi32>
      %swap3A_331 = arith.constant 112 : index
      %swap3A_332 = tpu.vector_load %arg19[%swap3A_331] {strides = array<i32>} : memref<128xi32, #tpu.memory_space<vmem>>, vector<16xi32>,
      tpu.vector_store %arg19[%swap3A_331], %add3A_330 {strides = array<i32>} : memref<128xi32, #tpu.memory_space<vmem>>, vector<16xi32>,
      %dma_wait3A = arith.constant 0 : i32
      %dma_wait3A_333 = arith.constant 0 : i32
      %dma_wait3A_334 = tpu.memref_slice %arg3[%dma_wait3A, %dma_wait3A_333] : memref<16384x128xf32, #tpu.memory_space<hbm>> -> memref<16384x128xf32, #tpu.memory_space<hbm>>
      tpu.wait_indirect_dma semaphore(%arg24 : memref<!tpu.dma_semaphore, #tpu.memory_space<semaphore_mem>>) src(%dma_wait3A_334 : memref<16384x128xf32, #tpu.memory_space<hbm>>) dst(%arg21 : memref<16x128xf32, #tpu.memory_space<vmem>>)
      "tpu.region"() ({
        %run_scoped3A = tpu.sem_alloc : memref<!tpu.dma_semaphore, #tpu.memory_space<semaphore_mem>>
        %dma_start3A_359 = arith.constant 0 : i32
        %dma_start3A_360 = arith.constant 0 : i32
        %dma_start3A_361 = tpu.memref_slice %arg6[%add3A_129, %dma_start3A_359, %dma_start3A_360] : memref<4096x16x128xf32, #tpu.memory_space<hbm>> -> memref<1x16x128xf32, #tpu.memory_space<hbm>>
        %dma_start3A_362 = tpu.memref_squeeze %dma_start3A_361 : memref<1x16x128xf32, #tpu.memory_space<hbm>> -> memref<16x128xf32, #tpu.memory_space<hbm>>
        %dma_start3A_363 = arith.constant 0 : i32
        %dma_start3A_364 = arith.constant 0 : i32
        %dma_start3A_365 = tpu.memref_slice %arg6[%add3A_129, %dma_start3A_363, %dma_start3A_364] : memref<4096x16x128xf32, #tpu.memory_space<hbm>> -> memref<1x16x128xf32, #tpu.memory_space<hbm>>
        %dma_start3A_366 = tpu.memref_squeeze %dma_start3A_365 : memref<1x16x128xf32, #tpu.memory_space<hbm>> -> memref<16x128xf32, #tpu.memory_space<hbm>>
        tpu.enqueue_dma source(%arg21 : memref<16x128xf32, #tpu.memory_space<vmem>>) target(%dma_start3A_366 : memref<16x128xf32, #tpu.memory_space<hbm>>) target_semaphore(%run_scoped3A : memref<!tpu.dma_semaphore, #tpu.memory_space<semaphore_mem>>)
        %dma_wait3A_367 = arith.constant 0 : i32
        %dma_wait3A_368 = arith.constant 0 : i32
        %dma_wait3A_369 = tpu.memref_slice %arg6[%add3A_129, %dma_wait3A_367, %dma_wait3A_368] : memref<4096x16x128xf32, #tpu.memory_space<hbm>> -> memref<1x16x128xf32, #tpu.memory_space<hbm>>
        %dma_wait3A_370 = tpu.memref_squeeze %dma_wait3A_369 : memref<1x16x128xf32, #tpu.memory_space<hbm>> -> memref<16x128xf32, #tpu.memory_space<hbm>>
        %dma_wait3A_371 = arith.constant 0 : i32
        %dma_wait3A_372 = arith.constant 0 : i32
        %dma_wait3A_373 = tpu.memref_slice %arg6[%add3A_129, %dma_wait3A_371, %dma_wait3A_372] : memref<4096x16x128xf32, #tpu.memory_space<hbm>> -> memref<1x16x128xf32, #tpu.memory_space<hbm>>
        %dma_wait3A_374 = tpu.memref_squeeze %dma_wait3A_373 : memref<1x16x128xf32, #tpu.memory_space<hbm>> -> memref<16x128xf32, #tpu.memory_space<hbm>>
        tpu.wait_dma2 semaphore(%run_scoped3A : memref<!tpu.dma_semaphore, #tpu.memory_space<semaphore_mem>>) src(%arg21 : memref<16x128xf32, #tpu.memory_space<vmem>>) dst(%dma_wait3A_374 : memref<16x128xf32, #tpu.memory_space<hbm>>)
        tpu.yield
      }) : () -> ()
      %dma_wait3A_335 = arith.constant 0 : i32
      %dma_wait3A_336 = arith.constant 0 : i32
      %dma_wait3A_337 = tpu.memref_slice %arg4[%dma_wait3A_335, %dma_wait3A_336] : memref<16384x128xf32, #tpu.memory_space<hbm>> -> memref<16384x128xf32, #tpu.memory_space<hbm>>
      tpu.wait_indirect_dma semaphore(%arg25 : memref<!tpu.dma_semaphore, #tpu.memory_space<semaphore_mem>>) src(%dma_wait3A_337 : memref<16384x128xf32, #tpu.memory_space<hbm>>) dst(%arg22 : memref<32x128xf32, #tpu.memory_space<vmem>>)
      "tpu.region"() ({
        %run_scoped3A = tpu.sem_alloc : memref<!tpu.dma_semaphore, #tpu.memory_space<semaphore_mem>>
        %dma_start3A_359 = arith.constant 0 : i32
        %dma_start3A_360 = arith.constant 0 : i32
        %dma_start3A_361 = tpu.memref_slice %arg7[%add3A_129, %dma_start3A_359, %dma_start3A_360] : memref<4096x32x128xf32, #tpu.memory_space<hbm>> -> memref<1x32x128xf32, #tpu.memory_space<hbm>>
        %dma_start3A_362 = tpu.memref_squeeze %dma_start3A_361 : memref<1x32x128xf32, #tpu.memory_space<hbm>> -> memref<32x128xf32, #tpu.memory_space<hbm>>
        %dma_start3A_363 = arith.constant 0 : i32
        %dma_start3A_364 = arith.constant 0 : i32
        %dma_start3A_365 = tpu.memref_slice %arg7[%add3A_129, %dma_start3A_363, %dma_start3A_364] : memref<4096x32x128xf32, #tpu.memory_space<hbm>> -> memref<1x32x128xf32, #tpu.memory_space<hbm>>
        %dma_start3A_366 = tpu.memref_squeeze %dma_start3A_365 : memref<1x32x128xf32, #tpu.memory_space<hbm>> -> memref<32x128xf32, #tpu.memory_space<hbm>>
        tpu.enqueue_dma source(%arg22 : memref<32x128xf32, #tpu.memory_space<vmem>>) target(%dma_start3A_366 : memref<32x128xf32, #tpu.memory_space<hbm>>) target_semaphore(%run_scoped3A : memref<!tpu.dma_semaphore, #tpu.memory_space<semaphore_mem>>)
        %dma_wait3A_367 = arith.constant 0 : i32
        %dma_wait3A_368 = arith.constant 0 : i32
        %dma_wait3A_369 = tpu.memref_slice %arg7[%add3A_129, %dma_wait3A_367, %dma_wait3A_368] : memref<4096x32x128xf32, #tpu.memory_space<hbm>> -> memref<1x32x128xf32, #tpu.memory_space<hbm>>
        %dma_wait3A_370 = tpu.memref_squeeze %dma_wait3A_369 : memref<1x32x128xf32, #tpu.memory_space<hbm>> -> memref<32x128xf32, #tpu.memory_space<hbm>>
        %dma_wait3A_371 = arith.constant 0 : i32
        %dma_wait3A_372 = arith.constant 0 : i32
        %dma_wait3A_373 = tpu.memref_slice %arg7[%add3A_129, %dma_wait3A_371, %dma_wait3A_372] : memref<4096x32x128xf32, #tpu.memory_space<hbm>> -> memref<1x32x128xf32, #tpu.memory_space<hbm>>
        %dma_wait3A_374 = tpu.memref_squeeze %dma_wait3A_373 : memref<1x32x128xf32, #tpu.memory_space<hbm>> -> memref<32x128xf32, #tpu.memory_space<hbm>>
        tpu.wait_dma2 semaphore(%run_scoped3A : memref<!tpu.dma_semaphore, #tpu.memory_space<semaphore_mem>>) src(%arg22 : memref<32x128xf32, #tpu.memory_space<vmem>>) dst(%dma_wait3A_374 : memref<32x128xf32, #tpu.memory_space<hbm>>)
        tpu.yield
      }) : () -> ()
      %dma_wait3A_338 = arith.constant 0 : i32
      %dma_wait3A_339 = arith.constant 0 : i32
      %dma_wait3A_340 = tpu.memref_slice %arg5[%dma_wait3A_338, %dma_wait3A_339] : memref<16384x128xf32, #tpu.memory_space<hbm>> -> memref<16384x128xf32, #tpu.memory_space<hbm>>
      tpu.wait_indirect_dma semaphore(%arg26 : memref<!tpu.dma_semaphore, #tpu.memory_space<semaphore_mem>>) src(%dma_wait3A_340 : memref<16384x128xf32, #tpu.memory_space<hbm>>) dst(%arg23 : memref<128x128xf32, #tpu.memory_space<vmem>>)
      "tpu.region"() ({
        %run_scoped3A = tpu.sem_alloc : memref<!tpu.dma_semaphore, #tpu.memory_space<semaphore_mem>>
        %dma_start3A_359 = arith.constant 0 : i32
        %dma_start3A_360 = arith.constant 0 : i32
        %dma_start3A_361 = tpu.memref_slice %arg8[%add3A_129, %dma_start3A_359, %dma_start3A_360] : memref<4096x128x128xf32, #tpu.memory_space<hbm>> -> memref<1x128x128xf32, #tpu.memory_space<hbm>>
        %dma_start3A_362 = tpu.memref_squeeze %dma_start3A_361 : memref<1x128x128xf32, #tpu.memory_space<hbm>> -> memref<128x128xf32, #tpu.memory_space<hbm>>
        %dma_start3A_363 = arith.constant 0 : i32
        %dma_start3A_364 = arith.constant 0 : i32
        %dma_start3A_365 = tpu.memref_slice %arg8[%add3A_129, %dma_start3A_363, %dma_start3A_364] : memref<4096x128x128xf32, #tpu.memory_space<hbm>> -> memref<1x128x128xf32, #tpu.memory_space<hbm>>
        %dma_start3A_366 = tpu.memref_squeeze %dma_start3A_365 : memref<1x128x128xf32, #tpu.memory_space<hbm>> -> memref<128x128xf32, #tpu.memory_space<hbm>>
        tpu.enqueue_dma source(%arg23 : memref<128x128xf32, #tpu.memory_space<vmem>>) target(%dma_start3A_366 : memref<128x128xf32, #tpu.memory_space<hbm>>) target_semaphore(%run_scoped3A : memref<!tpu.dma_semaphore, #tpu.memory_space<semaphore_mem>>)
        %dma_wait3A_367 = arith.constant 0 : i32
        %dma_wait3A_368 = arith.constant 0 : i32
        %dma_wait3A_369 = tpu.memref_slice %arg8[%add3A_129, %dma_wait3A_367, %dma_wait3A_368] : memref<4096x128x128xf32, #tpu.memory_space<hbm>> -> memref<1x128x128xf32, #tpu.memory_space<hbm>>
        %dma_wait3A_370 = tpu.memref_squeeze %dma_wait3A_369 : memref<1x128x128xf32, #tpu.memory_space<hbm>> -> memref<128x128xf32, #tpu.memory_space<hbm>>
        %dma_wait3A_371 = arith.constant 0 : i32
        %dma_wait3A_372 = arith.constant 0 : i32
        %dma_wait3A_373 = tpu.memref_slice %arg8[%add3A_129, %dma_wait3A_371, %dma_wait3A_372] : memref<4096x128x128xf32, #tpu.memory_space<hbm>> -> memref<1x128x128xf32, #tpu.memory_space<hbm>>
        %dma_wait3A_374 = tpu.memref_squeeze %dma_wait3A_373 : memref<1x128x128xf32, #tpu.memory_space<hbm>> -> memref<128x128xf32, #tpu.memory_space<hbm>>
        tpu.wait_dma2 semaphore(%run_scoped3A : memref<!tpu.dma_semaphore, #tpu.memory_space<semaphore_mem>>) src(%arg23 : memref<128x128xf32, #tpu.memory_space<vmem>>) dst(%dma_wait3A_374 : memref<128x128xf32, #tpu.memory_space<hbm>>)
        tpu.yield
      }) : () -> ()
      %dma_start3A_341 = arith.constant 0 : i32
      %dma_start3A_342 = arith.constant 0 : i32
      %dma_start3A_343 = tpu.memref_slice %arg3[%dma_start3A_341, %dma_start3A_342] : memref<16384x128xf32, #tpu.memory_space<hbm>> -> memref<16384x128xf32, #tpu.memory_space<hbm>>
      tpu.enqueue_indirect_dma source(%dma_start3A_343 : memref<16384x128xf32, #tpu.memory_space<hbm>>) target(%arg21 : memref<16x128xf32, #tpu.memory_space<vmem>>) offsets(%arg17 : memref<16xi32, #tpu.memory_space<vmem>>) semaphore(%arg24 : memref<!tpu.dma_semaphore, #tpu.memory_space<semaphore_mem>>)
      %dma_start3A_344 = arith.constant 0 : i32
      %dma_start3A_345 = arith.constant 0 : i32
      %dma_start3A_346 = tpu.memref_slice %arg4[%dma_start3A_344, %dma_start3A_345] : memref<16384x128xf32, #tpu.memory_space<hbm>> -> memref<16384x128xf32, #tpu.memory_space<hbm>>
      tpu.enqueue_indirect_dma source(%dma_start3A_346 : memref<16384x128xf32, #tpu.memory_space<hbm>>) target(%arg22 : memref<32x128xf32, #tpu.memory_space<vmem>>) offsets(%arg18 : memref<32xi32, #tpu.memory_space<vmem>>) semaphore(%arg25 : memref<!tpu.dma_semaphore, #tpu.memory_space<semaphore_mem>>)
      %dma_start3A_347 = arith.constant 0 : i32
      %dma_start3A_348 = arith.constant 0 : i32
      %dma_start3A_349 = tpu.memref_slice %arg5[%dma_start3A_347, %dma_start3A_348] : memref<16384x128xf32, #tpu.memory_space<hbm>> -> memref<16384x128xf32, #tpu.memory_space<hbm>>
      tpu.enqueue_indirect_dma source(%dma_start3A_349 : memref<16384x128xf32, #tpu.memory_space<hbm>>) target(%arg23 : memref<128x128xf32, #tpu.memory_space<vmem>>) offsets(%arg19 : memref<128xi32, #tpu.memory_space<vmem>>) semaphore(%arg26 : memref<!tpu.dma_semaphore, #tpu.memory_space<semaphore_mem>>)
      %dma_wait3A_350 = arith.constant 0 : i32
      %dma_wait3A_351 = arith.constant 0 : i32
      %dma_wait3A_352 = tpu.memref_slice %arg3[%dma_wait3A_350, %dma_wait3A_351] : memref<16384x128xf32, #tpu.memory_space<hbm>> -> memref<16384x128xf32, #tpu.memory_space<hbm>>
      tpu.wait_indirect_dma semaphore(%arg24 : memref<!tpu.dma_semaphore, #tpu.memory_space<semaphore_mem>>) src(%dma_wait3A_352 : memref<16384x128xf32, #tpu.memory_space<hbm>>) dst(%arg21 : memref<16x128xf32, #tpu.memory_space<vmem>>)
      "tpu.region"() ({
        %run_scoped3A = tpu.sem_alloc : memref<!tpu.dma_semaphore, #tpu.memory_space<semaphore_mem>>
        %dma_start3A_359 = arith.constant 0 : i32
        %dma_start3A_360 = arith.constant 0 : i32
        %dma_start3A_361 = tpu.memref_slice %arg6[%add3A_131, %dma_start3A_359, %dma_start3A_360] : memref<4096x16x128xf32, #tpu.memory_space<hbm>> -> memref<1x16x128xf32, #tpu.memory_space<hbm>>
        %dma_start3A_362 = tpu.memref_squeeze %dma_start3A_361 : memref<1x16x128xf32, #tpu.memory_space<hbm>> -> memref<16x128xf32, #tpu.memory_space<hbm>>
        %dma_start3A_363 = arith.constant 0 : i32
        %dma_start3A_364 = arith.constant 0 : i32
        %dma_start3A_365 = tpu.memref_slice %arg6[%add3A_131, %dma_start3A_363, %dma_start3A_364] : memref<4096x16x128xf32, #tpu.memory_space<hbm>> -> memref<1x16x128xf32, #tpu.memory_space<hbm>>
        %dma_start3A_366 = tpu.memref_squeeze %dma_start3A_365 : memref<1x16x128xf32, #tpu.memory_space<hbm>> -> memref<16x128xf32, #tpu.memory_space<hbm>>
        tpu.enqueue_dma source(%arg21 : memref<16x128xf32, #tpu.memory_space<vmem>>) target(%dma_start3A_366 : memref<16x128xf32, #tpu.memory_space<hbm>>) target_semaphore(%run_scoped3A : memref<!tpu.dma_semaphore, #tpu.memory_space<semaphore_mem>>)
        %dma_wait3A_367 = arith.constant 0 : i32
        %dma_wait3A_368 = arith.constant 0 : i32
        %dma_wait3A_369 = tpu.memref_slice %arg6[%add3A_131, %dma_wait3A_367, %dma_wait3A_368] : memref<4096x16x128xf32, #tpu.memory_space<hbm>> -> memref<1x16x128xf32, #tpu.memory_space<hbm>>
        %dma_wait3A_370 = tpu.memref_squeeze %dma_wait3A_369 : memref<1x16x128xf32, #tpu.memory_space<hbm>> -> memref<16x128xf32, #tpu.memory_space<hbm>>
        %dma_wait3A_371 = arith.constant 0 : i32
        %dma_wait3A_372 = arith.constant 0 : i32
        %dma_wait3A_373 = tpu.memref_slice %arg6[%add3A_131, %dma_wait3A_371, %dma_wait3A_372] : memref<4096x16x128xf32, #tpu.memory_space<hbm>> -> memref<1x16x128xf32, #tpu.memory_space<hbm>>
        %dma_wait3A_374 = tpu.memref_squeeze %dma_wait3A_373 : memref<1x16x128xf32, #tpu.memory_space<hbm>> -> memref<16x128xf32, #tpu.memory_space<hbm>>
        tpu.wait_dma2 semaphore(%run_scoped3A : memref<!tpu.dma_semaphore, #tpu.memory_space<semaphore_mem>>) src(%arg21 : memref<16x128xf32, #tpu.memory_space<vmem>>) dst(%dma_wait3A_374 : memref<16x128xf32, #tpu.memory_space<hbm>>)
        tpu.yield
      }) : () -> ()
      %dma_wait3A_353 = arith.constant 0 : i32
      %dma_wait3A_354 = arith.constant 0 : i32
      %dma_wait3A_355 = tpu.memref_slice %arg4[%dma_wait3A_353, %dma_wait3A_354] : memref<16384x128xf32, #tpu.memory_space<hbm>> -> memref<16384x128xf32, #tpu.memory_space<hbm>>
      tpu.wait_indirect_dma semaphore(%arg25 : memref<!tpu.dma_semaphore, #tpu.memory_space<semaphore_mem>>) src(%dma_wait3A_355 : memref<16384x128xf32, #tpu.memory_space<hbm>>) dst(%arg22 : memref<32x128xf32, #tpu.memory_space<vmem>>)
      "tpu.region"() ({
        %run_scoped3A = tpu.sem_alloc : memref<!tpu.dma_semaphore, #tpu.memory_space<semaphore_mem>>
        %dma_start3A_359 = arith.constant 0 : i32
        %dma_start3A_360 = arith.constant 0 : i32
        %dma_start3A_361 = tpu.memref_slice %arg7[%add3A_131, %dma_start3A_359, %dma_start3A_360] : memref<4096x32x128xf32, #tpu.memory_space<hbm>> -> memref<1x32x128xf32, #tpu.memory_space<hbm>>
        %dma_start3A_362 = tpu.memref_squeeze %dma_start3A_361 : memref<1x32x128xf32, #tpu.memory_space<hbm>> -> memref<32x128xf32, #tpu.memory_space<hbm>>
        %dma_start3A_363 = arith.constant 0 : i32
        %dma_start3A_364 = arith.constant 0 : i32
        %dma_start3A_365 = tpu.memref_slice %arg7[%add3A_131, %dma_start3A_363, %dma_start3A_364] : memref<4096x32x128xf32, #tpu.memory_space<hbm>> -> memref<1x32x128xf32, #tpu.memory_space<hbm>>
        %dma_start3A_366 = tpu.memref_squeeze %dma_start3A_365 : memref<1x32x128xf32, #tpu.memory_space<hbm>> -> memref<32x128xf32, #tpu.memory_space<hbm>>
        tpu.enqueue_dma source(%arg22 : memref<32x128xf32, #tpu.memory_space<vmem>>) target(%dma_start3A_366 : memref<32x128xf32, #tpu.memory_space<hbm>>) target_semaphore(%run_scoped3A : memref<!tpu.dma_semaphore, #tpu.memory_space<semaphore_mem>>)
        %dma_wait3A_367 = arith.constant 0 : i32
        %dma_wait3A_368 = arith.constant 0 : i32
        %dma_wait3A_369 = tpu.memref_slice %arg7[%add3A_131, %dma_wait3A_367, %dma_wait3A_368] : memref<4096x32x128xf32, #tpu.memory_space<hbm>> -> memref<1x32x128xf32, #tpu.memory_space<hbm>>
        %dma_wait3A_370 = tpu.memref_squeeze %dma_wait3A_369 : memref<1x32x128xf32, #tpu.memory_space<hbm>> -> memref<32x128xf32, #tpu.memory_space<hbm>>
        %dma_wait3A_371 = arith.constant 0 : i32
        %dma_wait3A_372 = arith.constant 0 : i32
        %dma_wait3A_373 = tpu.memref_slice %arg7[%add3A_131, %dma_wait3A_371, %dma_wait3A_372] : memref<4096x32x128xf32, #tpu.memory_space<hbm>> -> memref<1x32x128xf32, #tpu.memory_space<hbm>>
        %dma_wait3A_374 = tpu.memref_squeeze %dma_wait3A_373 : memref<1x32x128xf32, #tpu.memory_space<hbm>> -> memref<32x128xf32, #tpu.memory_space<hbm>>
        tpu.wait_dma2 semaphore(%run_scoped3A : memref<!tpu.dma_semaphore, #tpu.memory_space<semaphore_mem>>) src(%arg22 : memref<32x128xf32, #tpu.memory_space<vmem>>) dst(%dma_wait3A_374 : memref<32x128xf32, #tpu.memory_space<hbm>>)
        tpu.yield
      }) : () -> ()
      %dma_wait3A_356 = arith.constant 0 : i32
      %dma_wait3A_357 = arith.constant 0 : i32
      %dma_wait3A_358 = tpu.memref_slice %arg5[%dma_wait3A_356, %dma_wait3A_357] : memref<16384x128xf32, #tpu.memory_space<hbm>> -> memref<16384x128xf32, #tpu.memory_space<hbm>>
      tpu.wait_indirect_dma semaphore(%arg26 : memref<!tpu.dma_semaphore, #tpu.memory_space<semaphore_mem>>) src(%dma_wait3A_358 : memref<16384x128xf32, #tpu.memory_space<hbm>>) dst(%arg23 : memref<128x128xf32, #tpu.memory_space<vmem>>)
      "tpu.region"() ({
        %run_scoped3A = tpu.sem_alloc : memref<!tpu.dma_semaphore, #tpu.memory_space<semaphore_mem>>
        %dma_start3A_359 = arith.constant 0 : i32
        %dma_start3A_360 = arith.constant 0 : i32
        %dma_start3A_361 = tpu.memref_slice %arg8[%add3A_131, %dma_start3A_359, %dma_start3A_360] : memref<4096x128x128xf32, #tpu.memory_space<hbm>> -> memref<1x128x128xf32, #tpu.memory_space<hbm>>
        %dma_start3A_362 = tpu.memref_squeeze %dma_start3A_361 : memref<1x128x128xf32, #tpu.memory_space<hbm>> -> memref<128x128xf32, #tpu.memory_space<hbm>>
        %dma_start3A_363 = arith.constant 0 : i32
        %dma_start3A_364 = arith.constant 0 : i32
        %dma_start3A_365 = tpu.memref_slice %arg8[%add3A_131, %dma_start3A_363, %dma_start3A_364] : memref<4096x128x128xf32, #tpu.memory_space<hbm>> -> memref<1x128x128xf32, #tpu.memory_space<hbm>>
        %dma_start3A_366 = tpu.memref_squeeze %dma_start3A_365 : memref<1x128x128xf32, #tpu.memory_space<hbm>> -> memref<128x128xf32, #tpu.memory_space<hbm>>
        tpu.enqueue_dma source(%arg23 : memref<128x128xf32, #tpu.memory_space<vmem>>) target(%dma_start3A_366 : memref<128x128xf32, #tpu.memory_space<hbm>>) target_semaphore(%run_scoped3A : memref<!tpu.dma_semaphore, #tpu.memory_space<semaphore_mem>>)
        %dma_wait3A_367 = arith.constant 0 : i32
        %dma_wait3A_368 = arith.constant 0 : i32
        %dma_wait3A_369 = tpu.memref_slice %arg8[%add3A_131, %dma_wait3A_367, %dma_wait3A_368] : memref<4096x128x128xf32, #tpu.memory_space<hbm>> -> memref<1x128x128xf32, #tpu.memory_space<hbm>>
        %dma_wait3A_370 = tpu.memref_squeeze %dma_wait3A_369 : memref<1x128x128xf32, #tpu.memory_space<hbm>> -> memref<128x128xf32, #tpu.memory_space<hbm>>
        %dma_wait3A_371 = arith.constant 0 : i32
        %dma_wait3A_372 = arith.constant 0 : i32
        %dma_wait3A_373 = tpu.memref_slice %arg8[%add3A_131, %dma_wait3A_371, %dma_wait3A_372] : memref<4096x128x128xf32, #tpu.memory_space<hbm>> -> memref<1x128x128xf32, #tpu.memory_space<hbm>>
        %dma_wait3A_374 = tpu.memref_squeeze %dma_wait3A_373 : memref<1x128x128xf32, #tpu.memory_space<hbm>> -> memref<128x128xf32, #tpu.memory_space<hbm>>
        tpu.wait_dma2 semaphore(%run_scoped3A : memref<!tpu.dma_semaphore, #tpu.memory_space<semaphore_mem>>) src(%arg23 : memref<128x128xf32, #tpu.memory_space<vmem>>) dst(%dma_wait3A_374 : memref<128x128xf32, #tpu.memory_space<hbm>>)
        tpu.yield
      }) : () -> ()
    }
    %scan3A_125 = arith.constant 64 : i32
    return
  }
}

module attributes {stable_mosaic.version = 14 : i64} {
  func.func @_fps_kernel(%arg0: memref<8x2048xf32, #tpu.memory_space<vmem>>, %arg1: memref<8x2048xf32, #tpu.memory_space<vmem>>, %arg2: memref<8x2048xf32, #tpu.memory_space<vmem>>, %arg3: memref<8x512xf32, #tpu.memory_space<vmem>>, %arg4: memref<8x512xf32, #tpu.memory_space<vmem>>, %arg5: memref<8x512xf32, #tpu.memory_space<vmem>>) attributes {dimension_semantics = [], scalar_prefetch = 0 : i64, scratch_operands = 0 : i64, tpu.core_type = #tpu.core_type<tc>} {
    %get3A = arith.constant 0 : index
    %get3A_0 = arith.constant 0 : index
    %get3A_1 = vector.load %arg0[%get3A, %get3A_0] : memref<8x2048xf32, #tpu.memory_space<vmem>>, vector<8x2048xf32>
    %get3A_2 = arith.constant 0 : index
    %get3A_3 = arith.constant 0 : index
    %get3A_4 = vector.load %arg1[%get3A_2, %get3A_3] : memref<8x2048xf32, #tpu.memory_space<vmem>>, vector<8x2048xf32>
    %get3A_5 = arith.constant 0 : index
    %get3A_6 = arith.constant 0 : index
    %get3A_7 = vector.load %arg2[%get3A_5, %get3A_6] : memref<8x2048xf32, #tpu.memory_space<vmem>>, vector<8x2048xf32>
    %iota3A = tpu.iota {dimensions = array<i32: 1>} : vector<8x2048xi32>
    %iota3A_8 = tpu.iota {dimensions = array<i32: 1>} : vector<8x512xi32>
    %broadcast_in_dim3A = arith.constant 1.000000e+10 : f32
    %broadcast_in_dim3A_9 = vector.broadcast %broadcast_in_dim3A : f32 to vector<8x2048xf32>
    %broadcast_in_dim3A_10 = arith.constant 0 : i32
    %broadcast_in_dim3A_11 = vector.broadcast %broadcast_in_dim3A_10 : i32 to vector<8x1xi32>
    %broadcast_in_dim3A_12 = arith.constant 0.000000e+00 : f32
    %broadcast_in_dim3A_13 = vector.broadcast %broadcast_in_dim3A_12 : f32 to vector<8x512xf32>
    %broadcast_in_dim3A_14 = arith.constant 0.000000e+00 : f32
    %broadcast_in_dim3A_15 = vector.broadcast %broadcast_in_dim3A_14 : f32 to vector<8x512xf32>
    %broadcast_in_dim3A_16 = arith.constant 0.000000e+00 : f32
    %broadcast_in_dim3A_17 = vector.broadcast %broadcast_in_dim3A_16 : f32 to vector<8x512xf32>
    %scan3A = arith.constant 0 : i32
    %scan3A_18 = arith.constant 512 : i32
    %scan3A_19 = arith.addi %scan3A, %scan3A_18 : i32
    %scan3A_20 = arith.constant 1 : i32
    %scan3A_21:5 = scf.for %scan3A_31 = %scan3A to %scan3A_19 step %scan3A_20 iter_args(%scan3A_32 = %broadcast_in_dim3A_9, %scan3A_33 = %broadcast_in_dim3A_11, %scan3A_34 = %broadcast_in_dim3A_13, %scan3A_35 = %broadcast_in_dim3A_15, %scan3A_36 = %broadcast_in_dim3A_17) -> (vector<8x2048xf32>, vector<8x1xi32>, vector<8x512xf32>, vector<8x512xf32>, vector<8x512xf32>)  : i32 {
      %eq3A = vector.broadcast %scan3A_33 : vector<8x1xi32> to vector<8x2048xi32>
      %eq3A_37 = arith.cmpi eq, %iota3A, %eq3A : vector<8x2048xi32>
      %jit3A = arith.constant 0.000000e+00 : f32
      %broadcast_in_dim3A_38 = vector.broadcast %jit3A : f32 to vector<8x2048xf32>
      %select_n3A = arith.select %eq3A_37, %get3A_1, %broadcast_in_dim3A_38 : vector<8x2048xi1>, vector<8x2048xf32>
      %reduce_sum3A = arith.constant dense<0.000000e+00> : vector<8xf32>
      %reduce_sum3A_39 = vector.multi_reduction <add>, %select_n3A, %reduce_sum3A [1] : vector<8x2048xf32> to vector<8xf32>
      %broadcast_in_dim3A_40 = vector.shape_cast %reduce_sum3A_39 : vector<8xf32> to vector<8x1xf32>
      %jit3A_41 = arith.constant 0.000000e+00 : f32
      %broadcast_in_dim3A_42 = vector.broadcast %jit3A_41 : f32 to vector<8x2048xf32>
      %select_n3A_43 = arith.select %eq3A_37, %get3A_4, %broadcast_in_dim3A_42 : vector<8x2048xi1>, vector<8x2048xf32>
      %reduce_sum3A_44 = arith.constant dense<0.000000e+00> : vector<8xf32>
      %reduce_sum3A_45 = vector.multi_reduction <add>, %select_n3A_43, %reduce_sum3A_44 [1] : vector<8x2048xf32> to vector<8xf32>
      %broadcast_in_dim3A_46 = vector.shape_cast %reduce_sum3A_45 : vector<8xf32> to vector<8x1xf32>
      %jit3A_47 = arith.constant 0.000000e+00 : f32
      %broadcast_in_dim3A_48 = vector.broadcast %jit3A_47 : f32 to vector<8x2048xf32>
      %select_n3A_49 = arith.select %eq3A_37, %get3A_7, %broadcast_in_dim3A_48 : vector<8x2048xi1>, vector<8x2048xf32>
      %reduce_sum3A_50 = arith.constant dense<0.000000e+00> : vector<8xf32>
      %reduce_sum3A_51 = vector.multi_reduction <add>, %select_n3A_49, %reduce_sum3A_50 [1] : vector<8x2048xf32> to vector<8xf32>
      %broadcast_in_dim3A_52 = vector.shape_cast %reduce_sum3A_51 : vector<8xf32> to vector<8x1xf32>
      %sub3A = vector.broadcast %broadcast_in_dim3A_40 : vector<8x1xf32> to vector<8x2048xf32>
      %sub3A_53 = arith.subf %get3A_1, %sub3A : vector<8x2048xf32>
      %sub3A_54 = vector.broadcast %broadcast_in_dim3A_46 : vector<8x1xf32> to vector<8x2048xf32>
      %sub3A_55 = arith.subf %get3A_4, %sub3A_54 : vector<8x2048xf32>
      %sub3A_56 = vector.broadcast %broadcast_in_dim3A_52 : vector<8x1xf32> to vector<8x2048xf32>
      %sub3A_57 = arith.subf %get3A_7, %sub3A_56 : vector<8x2048xf32>
      %mul3A = arith.mulf %sub3A_53, %sub3A_53 : vector<8x2048xf32>
      %mul3A_58 = arith.mulf %sub3A_55, %sub3A_55 : vector<8x2048xf32>
      %add3A = arith.addf %mul3A, %mul3A_58 : vector<8x2048xf32>
      %mul3A_59 = arith.mulf %sub3A_57, %sub3A_57 : vector<8x2048xf32>
      %add3A_60 = arith.addf %add3A, %mul3A_59 : vector<8x2048xf32>
      %min3A = arith.minimumf %scan3A_32, %add3A_60 : vector<8x2048xf32>
      %reduce_max3A = arith.constant dense<0xFF800000> : vector<8xf32>
      %reduce_max3A_61 = vector.multi_reduction <maximumf>, %min3A, %reduce_max3A [1] : vector<8x2048xf32> to vector<8xf32>
      %broadcast_in_dim3A_62 = vector.shape_cast %reduce_max3A_61 : vector<8xf32> to vector<8x1xf32>
      %eq3A_63 = vector.broadcast %broadcast_in_dim3A_62 : vector<8x1xf32> to vector<8x2048xf32>
      %eq3A_64 = arith.cmpf oeq, %min3A, %eq3A_63 : vector<8x2048xf32>
      %jit3A_65 = arith.constant 2048 : i32
      %broadcast_in_dim3A_66 = vector.broadcast %jit3A_65 : i32 to vector<8x2048xi32>
      %select_n3A_67 = arith.select %eq3A_64, %iota3A, %broadcast_in_dim3A_66 : vector<8x2048xi1>, vector<8x2048xi32>
      %reduce_min3A = arith.constant dense<2147483647> : vector<8xi32>
      %reduce_min3A_68 = vector.multi_reduction <minsi>, %select_n3A_67, %reduce_min3A [1] : vector<8x2048xi32> to vector<8xi32>
      %broadcast_in_dim3A_69 = vector.shape_cast %reduce_min3A_68 : vector<8xi32> to vector<8x1xi32>
      %eq3A_70 = vector.broadcast %scan3A_31 : i32 to vector<8x512xi32>
      %eq3A_71 = arith.cmpi eq, %iota3A_8, %eq3A_70 : vector<8x512xi32>
      %broadcast_in_dim3A_72 = vector.shape_cast %broadcast_in_dim3A_40 : vector<8x1xf32> to vector<8x1xf32>
      %broadcast_in_dim3A_73 = vector.broadcast %broadcast_in_dim3A_72 : vector<8x1xf32> to vector<8x512xf32>
      %select_n3A_74 = arith.select %eq3A_71, %broadcast_in_dim3A_73, %scan3A_34 : vector<8x512xi1>, vector<8x512xf32>
      %broadcast_in_dim3A_75 = vector.shape_cast %broadcast_in_dim3A_46 : vector<8x1xf32> to vector<8x1xf32>
      %broadcast_in_dim3A_76 = vector.broadcast %broadcast_in_dim3A_75 : vector<8x1xf32> to vector<8x512xf32>
      %select_n3A_77 = arith.select %eq3A_71, %broadcast_in_dim3A_76, %scan3A_35 : vector<8x512xi1>, vector<8x512xf32>
      %broadcast_in_dim3A_78 = vector.shape_cast %broadcast_in_dim3A_52 : vector<8x1xf32> to vector<8x1xf32>
      %broadcast_in_dim3A_79 = vector.broadcast %broadcast_in_dim3A_78 : vector<8x1xf32> to vector<8x512xf32>
      %select_n3A_80 = arith.select %eq3A_71, %broadcast_in_dim3A_79, %scan3A_36 : vector<8x512xi1>, vector<8x512xf32>
      scf.yield %min3A, %broadcast_in_dim3A_69, %select_n3A_74, %select_n3A_77, %select_n3A_80 : vector<8x2048xf32>, vector<8x1xi32>, vector<8x512xf32>, vector<8x512xf32>, vector<8x512xf32>
    }
    %scan3A_22 = arith.constant 512 : i32
    %swap3A = arith.constant 0 : index
    %swap3A_23 = arith.constant 0 : index
    %swap3A_24 = vector.load %arg3[%swap3A, %swap3A_23] : memref<8x512xf32, #tpu.memory_space<vmem>>, vector<8x512xf32>
    tpu.vector_store %arg3[%swap3A, %swap3A_23], %scan3A_21#2 {strides = array<i32>} : memref<8x512xf32, #tpu.memory_space<vmem>>, vector<8x512xf32>,
    %swap3A_25 = arith.constant 0 : index
    %swap3A_26 = arith.constant 0 : index
    %swap3A_27 = vector.load %arg4[%swap3A_25, %swap3A_26] : memref<8x512xf32, #tpu.memory_space<vmem>>, vector<8x512xf32>
    tpu.vector_store %arg4[%swap3A_25, %swap3A_26], %scan3A_21#3 {strides = array<i32>} : memref<8x512xf32, #tpu.memory_space<vmem>>, vector<8x512xf32>,
    %swap3A_28 = arith.constant 0 : index
    %swap3A_29 = arith.constant 0 : index
    %swap3A_30 = vector.load %arg5[%swap3A_28, %swap3A_29] : memref<8x512xf32, #tpu.memory_space<vmem>>, vector<8x512xf32>
    tpu.vector_store %arg5[%swap3A_28, %swap3A_29], %scan3A_21#4 {strides = array<i32>} : memref<8x512xf32, #tpu.memory_space<vmem>>, vector<8x512xf32>,
    return
  }
}

module attributes {stable_mosaic.version = 14 : i64} {
  func.func @_dist_kernel(%arg0: i32, %arg1: memref<1x512x8xf32, #tpu.memory_space<vmem>>, %arg2: memref<1x8x2048xf32, #tpu.memory_space<vmem>>, %arg3: memref<1x512x2048xf32, #tpu.memory_space<vmem>>) attributes {dimension_semantics = [#tpu.dimension_semantics<arbitrary>], iteration_bounds = array<i64: 8>, scalar_prefetch = 0 : i64, scratch_operands = 0 : i64, tpu.core_type = #tpu.core_type<tc>, window_params = [{transform_indices = @transform_0, window_bounds = array<i64: 1, 512, 8>}, {transform_indices = @transform_1, window_bounds = array<i64: 1, 8, 2048>}, {transform_indices = @transform_2, window_bounds = array<i64: 1, 512, 2048>}]} {
    %get3A = arith.constant 0 : index
    %get3A_0 = arith.constant 0 : index
    %get3A_1 = arith.constant 0 : index
    %get3A_2 = vector.load %arg1[%get3A, %get3A_0, %get3A_1] : memref<1x512x8xf32, #tpu.memory_space<vmem>>, vector<1x512x8xf32>
    %get3A_3 = vector.shape_cast %get3A_2 : vector<1x512x8xf32> to vector<512x8xf32>
    %get3A_4 = arith.constant 0 : index
    %get3A_5 = arith.constant 0 : index
    %get3A_6 = arith.constant 0 : index
    %get3A_7 = vector.load %arg2[%get3A_4, %get3A_5, %get3A_6] : memref<1x8x2048xf32, #tpu.memory_space<vmem>>, vector<1x8x2048xf32>
    %get3A_8 = vector.shape_cast %get3A_7 : vector<1x8x2048xf32> to vector<8x2048xf32>
    %dot_general3A = arith.constant dense<0.000000e+00> : vector<512x2048xf32>
    %dot_general3A_9 = tpu.matmul %get3A_3, %get3A_8, %dot_general3A {dimension_numbers = #tpu.dot_dimension_numbers<[1], [0], [0], [1], [0, 0, 1, 1], [], []>, transpose_lhs_hint = false} : vector<512x8xf32>, vector<8x2048xf32>, vector<512x2048xf32> -> vector<512x2048xf32>
    %mul3A = arith.mulf %get3A_3, %get3A_3 : vector<512x8xf32>
    %reduce_sum3A = arith.constant dense<0.000000e+00> : vector<512xf32>
    %reduce_sum3A_10 = vector.multi_reduction <add>, %mul3A, %reduce_sum3A [1] : vector<512x8xf32> to vector<512xf32>
    %broadcast_in_dim3A = vector.shape_cast %reduce_sum3A_10 : vector<512xf32> to vector<512x1xf32>
    %mul3A_11 = arith.mulf %get3A_8, %get3A_8 : vector<8x2048xf32>
    %reduce_sum3A_12 = arith.constant dense<0.000000e+00> : vector<2048xf32>
    %reduce_sum3A_13 = vector.multi_reduction <add>, %mul3A_11, %reduce_sum3A_12 [0] : vector<8x2048xf32> to vector<2048xf32>
    %broadcast_in_dim3A_14 = vector.shape_cast %reduce_sum3A_13 : vector<2048xf32> to vector<1x2048xf32>
    %mul3A_15 = arith.constant -2.000000e+00 : f32
    %mul3A_16 = vector.broadcast %mul3A_15 : f32 to vector<512x2048xf32>
    %mul3A_17 = arith.mulf %mul3A_16, %dot_general3A_9 : vector<512x2048xf32>
    %add3A = vector.broadcast %broadcast_in_dim3A : vector<512x1xf32> to vector<512x2048xf32>
    %add3A_18 = arith.addf %mul3A_17, %add3A : vector<512x2048xf32>
    %add3A_19 = vector.broadcast %broadcast_in_dim3A_14 : vector<1x2048xf32> to vector<512x2048xf32>
    %add3A_20 = arith.addf %add3A_18, %add3A_19 : vector<512x2048xf32>
    %swap3A = arith.constant 0 : index
    %swap3A_21 = arith.constant 0 : index
    %swap3A_22 = arith.constant 0 : index
    %swap3A_23 = vector.load %arg3[%swap3A, %swap3A_21, %swap3A_22] : memref<1x512x2048xf32, #tpu.memory_space<vmem>>, vector<1x512x2048xf32>
    %swap3A_24 = vector.shape_cast %swap3A_23 : vector<1x512x2048xf32> to vector<512x2048xf32>
    %swap3A_25 = vector.shape_cast %add3A_20 : vector<512x2048xf32> to vector<1x512x2048xf32>
    tpu.vector_store %arg3[%swap3A, %swap3A_21, %swap3A_22], %swap3A_25 {strides = array<i32>} : memref<1x512x2048xf32, #tpu.memory_space<vmem>>, vector<1x512x2048xf32>,
    return
  }
  func.func @transform_0(%arg0: i32) -> (i32, i32, i32) {
    %c0_i32 = arith.constant 0 : i32
    %c0_i32_0 = arith.constant 0 : i32
    %c0_i32_1 = arith.constant 0 : i32
    return %arg0, %c0_i32, %c0_i32_0 : i32, i32, i32
  }
  func.func @transform_1(%arg0: i32) -> (i32, i32, i32) {
    %c0_i32 = arith.constant 0 : i32
    %c0_i32_0 = arith.constant 0 : i32
    %c0_i32_1 = arith.constant 0 : i32
    return %arg0, %c0_i32, %c0_i32_0 : i32, i32, i32
  }
  func.func @transform_2(%arg0: i32) -> (i32, i32, i32) {
    %c0_i32 = arith.constant 0 : i32
    %c0_i32_0 = arith.constant 0 : i32
    %c0_i32_1 = arith.constant 0 : i32
    return %arg0, %c0_i32, %c0_i32_0 : i32, i32, i32
  }
}

module attributes {stable_mosaic.version = 14 : i64} {
  func.func @_p1_kernel(%arg0: i32, %arg1: memref<2048x64xf32, #tpu.memory_space<vmem>>, %arg2: memref<2048x8xf32, #tpu.memory_space<vmem>>, %arg3: memref<64x128xf32, #tpu.memory_space<vmem>>, %arg4: memref<8x128xf32, #tpu.memory_space<vmem>>, %arg5: memref<64x128xf32, #tpu.memory_space<vmem>>, %arg6: memref<8x128xf32, #tpu.memory_space<vmem>>, %arg7: memref<64x128xf32, #tpu.memory_space<vmem>>, %arg8: memref<8x128xf32, #tpu.memory_space<vmem>>, %arg9: memref<2048x128xf32, #tpu.memory_space<vmem>>, %arg10: memref<2048x128xf32, #tpu.memory_space<vmem>>, %arg11: memref<2048x128xf32, #tpu.memory_space<vmem>>) attributes {dimension_semantics = [#tpu.dimension_semantics<arbitrary>], iteration_bounds = array<i64: 8>, scalar_prefetch = 0 : i64, scratch_operands = 0 : i64, tpu.core_type = #tpu.core_type<tc>, window_params = [{transform_indices = @transform_0, window_bounds = array<i64: 2048, 64>}, {transform_indices = @transform_1, window_bounds = array<i64: 2048, 8>}, {pipeline_mode = #tpu.pipeline_mode<synchronous>, transform_indices = @transform_2, window_bounds = array<i64: 64, 128>}, {pipeline_mode = #tpu.pipeline_mode<synchronous>, transform_indices = @transform_3, window_bounds = array<i64: 8, 128>}, {pipeline_mode = #tpu.pipeline_mode<synchronous>, transform_indices = @transform_4, window_bounds = array<i64: 64, 128>}, {pipeline_mode = #tpu.pipeline_mode<synchronous>, transform_indices = @transform_5, window_bounds = array<i64: 8, 128>}, {pipeline_mode = #tpu.pipeline_mode<synchronous>, transform_indices = @transform_6, window_bounds = array<i64: 64, 128>}, {pipeline_mode = #tpu.pipeline_mode<synchronous>, transform_indices = @transform_7, window_bounds = array<i64: 8, 128>}, {transform_indices = @transform_8, window_bounds = array<i64: 2048, 128>}, {transform_indices = @transform_9, window_bounds = array<i64: 2048, 128>}, {transform_indices = @transform_10, window_bounds = array<i64: 2048, 128>}]} {
    %get3A = arith.constant 0 : index
    %get3A_0 = arith.constant 0 : index
    %get3A_1 = vector.load %arg1[%get3A, %get3A_0] : memref<2048x64xf32, #tpu.memory_space<vmem>>, vector<2048x64xf32>
    %get3A_2 = arith.constant 0 : index
    %get3A_3 = arith.constant 0 : index
    %get3A_4 = vector.load %arg2[%get3A_2, %get3A_3] : memref<2048x8xf32, #tpu.memory_space<vmem>>, vector<2048x8xf32>
    %get3A_5 = arith.constant 0 : index
    %get3A_6 = arith.constant 0 : index
    %get3A_7 = vector.load %arg3[%get3A_5, %get3A_6] : memref<64x128xf32, #tpu.memory_space<vmem>>, vector<64x128xf32>
    %dot_general3A = arith.constant dense<0.000000e+00> : vector<2048x128xf32>
    %dot_general3A_8 = tpu.matmul %get3A_1, %get3A_7, %dot_general3A {dimension_numbers = #tpu.dot_dimension_numbers<[1], [0], [0], [1], [0, 0, 1, 1], [], []>, transpose_lhs_hint = false} : vector<2048x64xf32>, vector<64x128xf32>, vector<2048x128xf32> -> vector<2048x128xf32>
    %get3A_9 = arith.constant 0 : index
    %get3A_10 = arith.constant 0 : index
    %get3A_11 = vector.load %arg4[%get3A_9, %get3A_10] : memref<8x128xf32, #tpu.memory_space<vmem>>, vector<8x128xf32>
    %dot_general3A_12 = arith.constant dense<0.000000e+00> : vector<2048x128xf32>
    %dot_general3A_13 = tpu.matmul %get3A_4, %get3A_11, %dot_general3A_12 {dimension_numbers = #tpu.dot_dimension_numbers<[1], [0], [0], [1], [0, 0, 1, 1], [], []>, transpose_lhs_hint = false} : vector<2048x8xf32>, vector<8x128xf32>, vector<2048x128xf32> -> vector<2048x128xf32>
    %add3A = arith.addf %dot_general3A_8, %dot_general3A_13 : vector<2048x128xf32>
    %swap3A = arith.constant 0 : index
    %swap3A_14 = arith.constant 0 : index
    %swap3A_15 = vector.load %arg9[%swap3A, %swap3A_14] : memref<2048x128xf32, #tpu.memory_space<vmem>>, vector<2048x128xf32>
    tpu.vector_store %arg9[%swap3A, %swap3A_14], %add3A {strides = array<i32>} : memref<2048x128xf32, #tpu.memory_space<vmem>>, vector<2048x128xf32>,
    %get3A_16 = arith.constant 0 : index
    %get3A_17 = arith.constant 0 : index
    %get3A_18 = vector.load %arg5[%get3A_16, %get3A_17] : memref<64x128xf32, #tpu.memory_space<vmem>>, vector<64x128xf32>
    %dot_general3A_19 = arith.constant dense<0.000000e+00> : vector<2048x128xf32>
    %dot_general3A_20 = tpu.matmul %get3A_1, %get3A_18, %dot_general3A_19 {dimension_numbers = #tpu.dot_dimension_numbers<[1], [0], [0], [1], [0, 0, 1, 1], [], []>, transpose_lhs_hint = false} : vector<2048x64xf32>, vector<64x128xf32>, vector<2048x128xf32> -> vector<2048x128xf32>
    %get3A_21 = arith.constant 0 : index
    %get3A_22 = arith.constant 0 : index
    %get3A_23 = vector.load %arg6[%get3A_21, %get3A_22] : memref<8x128xf32, #tpu.memory_space<vmem>>, vector<8x128xf32>
    %dot_general3A_24 = arith.constant dense<0.000000e+00> : vector<2048x128xf32>
    %dot_general3A_25 = tpu.matmul %get3A_4, %get3A_23, %dot_general3A_24 {dimension_numbers = #tpu.dot_dimension_numbers<[1], [0], [0], [1], [0, 0, 1, 1], [], []>, transpose_lhs_hint = false} : vector<2048x8xf32>, vector<8x128xf32>, vector<2048x128xf32> -> vector<2048x128xf32>
    %add3A_26 = arith.addf %dot_general3A_20, %dot_general3A_25 : vector<2048x128xf32>
    %swap3A_27 = arith.constant 0 : index
    %swap3A_28 = arith.constant 0 : index
    %swap3A_29 = vector.load %arg10[%swap3A_27, %swap3A_28] : memref<2048x128xf32, #tpu.memory_space<vmem>>, vector<2048x128xf32>
    tpu.vector_store %arg10[%swap3A_27, %swap3A_28], %add3A_26 {strides = array<i32>} : memref<2048x128xf32, #tpu.memory_space<vmem>>, vector<2048x128xf32>,
    %get3A_30 = arith.constant 0 : index
    %get3A_31 = arith.constant 0 : index
    %get3A_32 = vector.load %arg7[%get3A_30, %get3A_31] : memref<64x128xf32, #tpu.memory_space<vmem>>, vector<64x128xf32>
    %dot_general3A_33 = arith.constant dense<0.000000e+00> : vector<2048x128xf32>
    %dot_general3A_34 = tpu.matmul %get3A_1, %get3A_32, %dot_general3A_33 {dimension_numbers = #tpu.dot_dimension_numbers<[1], [0], [0], [1], [0, 0, 1, 1], [], []>, transpose_lhs_hint = false} : vector<2048x64xf32>, vector<64x128xf32>, vector<2048x128xf32> -> vector<2048x128xf32>
    %get3A_35 = arith.constant 0 : index
    %get3A_36 = arith.constant 0 : index
    %get3A_37 = vector.load %arg8[%get3A_35, %get3A_36] : memref<8x128xf32, #tpu.memory_space<vmem>>, vector<8x128xf32>
    %dot_general3A_38 = arith.constant dense<0.000000e+00> : vector<2048x128xf32>
    %dot_general3A_39 = tpu.matmul %get3A_4, %get3A_37, %dot_general3A_38 {dimension_numbers = #tpu.dot_dimension_numbers<[1], [0], [0], [1], [0, 0, 1, 1], [], []>, transpose_lhs_hint = false} : vector<2048x8xf32>, vector<8x128xf32>, vector<2048x128xf32> -> vector<2048x128xf32>
    %add3A_40 = arith.addf %dot_general3A_34, %dot_general3A_39 : vector<2048x128xf32>
    %swap3A_41 = arith.constant 0 : index
    %swap3A_42 = arith.constant 0 : index
    %swap3A_43 = vector.load %arg11[%swap3A_41, %swap3A_42] : memref<2048x128xf32, #tpu.memory_space<vmem>>, vector<2048x128xf32>
    tpu.vector_store %arg11[%swap3A_41, %swap3A_42], %add3A_40 {strides = array<i32>} : memref<2048x128xf32, #tpu.memory_space<vmem>>, vector<2048x128xf32>,
    return
  }
  func.func @transform_0(%arg0: i32) -> (i32, i32) {
    %c0_i32 = arith.constant 0 : i32
    %c0_i32_0 = arith.constant 0 : i32
    return %arg0, %c0_i32 : i32, i32
  }
  func.func @transform_1(%arg0: i32) -> (i32, i32) {
    %c0_i32 = arith.constant 0 : i32
    %c0_i32_0 = arith.constant 0 : i32
    return %arg0, %c0_i32 : i32, i32
  }
  func.func @transform_2(%arg0: i32) -> (i32, i32) {
    %c0_i32 = arith.constant 0 : i32
    %c0_i32_0 = arith.constant 0 : i32
    %c0_i32_1 = arith.constant 0 : i32
    return %c0_i32, %c0_i32_0 : i32, i32
  }
  func.func @transform_3(%arg0: i32) -> (i32, i32) {
    %c0_i32 = arith.constant 0 : i32
    %c0_i32_0 = arith.constant 0 : i32
    %c0_i32_1 = arith.constant 0 : i32
    return %c0_i32, %c0_i32_0 : i32, i32
  }
  func.func @transform_4(%arg0: i32) -> (i32, i32) {
    %c0_i32 = arith.constant 0 : i32
    %c0_i32_0 = arith.constant 0 : i32
    %c0_i32_1 = arith.constant 0 : i32
    return %c0_i32, %c0_i32_0 : i32, i32
  }
  func.func @transform_5(%arg0: i32) -> (i32, i32) {
    %c0_i32 = arith.constant 0 : i32
    %c0_i32_0 = arith.constant 0 : i32
    %c0_i32_1 = arith.constant 0 : i32
    return %c0_i32, %c0_i32_0 : i32, i32
  }
  func.func @transform_6(%arg0: i32) -> (i32, i32) {
    %c0_i32 = arith.constant 0 : i32
    %c0_i32_0 = arith.constant 0 : i32
    %c0_i32_1 = arith.constant 0 : i32
    return %c0_i32, %c0_i32_0 : i32, i32
  }
  func.func @transform_7(%arg0: i32) -> (i32, i32) {
    %c0_i32 = arith.constant 0 : i32
    %c0_i32_0 = arith.constant 0 : i32
    %c0_i32_1 = arith.constant 0 : i32
    return %c0_i32, %c0_i32_0 : i32, i32
  }
  func.func @transform_8(%arg0: i32) -> (i32, i32) {
    %c0_i32 = arith.constant 0 : i32
    %c0_i32_0 = arith.constant 0 : i32
    return %arg0, %c0_i32 : i32, i32
  }
  func.func @transform_9(%arg0: i32) -> (i32, i32) {
    %c0_i32 = arith.constant 0 : i32
    %c0_i32_0 = arith.constant 0 : i32
    return %arg0, %c0_i32 : i32, i32
  }
  func.func @transform_10(%arg0: i32) -> (i32, i32) {
    %c0_i32 = arith.constant 0 : i32
    %c0_i32_0 = arith.constant 0 : i32
    return %arg0, %c0_i32 : i32, i32
  }
}

module attributes {stable_mosaic.version = 14 : i64} {
  func.func @_mlp_kernel(%arg0: i32, %arg1: memref<256x16x128xf32, #tpu.memory_space<vmem>>, %arg2: memref<256x8xf32, #tpu.memory_space<vmem>>, %arg3: memref<256x16xi32, #tpu.memory_space<vmem>>, %arg4: memref<8x128xf32, #tpu.memory_space<vmem>>, %arg5: memref<1x128xf32, #tpu.memory_space<vmem>>, %arg6: memref<128x128xf32, #tpu.memory_space<vmem>>, %arg7: memref<1x128xf32, #tpu.memory_space<vmem>>, %arg8: memref<128x128xf32, #tpu.memory_space<vmem>>, %arg9: memref<1x128xf32, #tpu.memory_space<vmem>>, %arg10: memref<256x128xf32, #tpu.memory_space<vmem>>) attributes {dimension_semantics = [#tpu.dimension_semantics<arbitrary>], iteration_bounds = array<i64: 16>, scalar_prefetch = 0 : i64, scratch_operands = 0 : i64, tpu.core_type = #tpu.core_type<tc>, window_params = [{transform_indices = @transform_0, window_bounds = array<i64: 256, 16, 128>}, {transform_indices = @transform_1, window_bounds = array<i64: 256, 8>}, {transform_indices = @transform_2, window_bounds = array<i64: 256, 16>}, {pipeline_mode = #tpu.pipeline_mode<synchronous>, transform_indices = @transform_3, window_bounds = array<i64: 8, 128>}, {pipeline_mode = #tpu.pipeline_mode<synchronous>, transform_indices = @transform_4, window_bounds = array<i64: 1, 128>}, {pipeline_mode = #tpu.pipeline_mode<synchronous>, transform_indices = @transform_5, window_bounds = array<i64: 128, 128>}, {pipeline_mode = #tpu.pipeline_mode<synchronous>, transform_indices = @transform_6, window_bounds = array<i64: 1, 128>}, {pipeline_mode = #tpu.pipeline_mode<synchronous>, transform_indices = @transform_7, window_bounds = array<i64: 128, 128>}, {pipeline_mode = #tpu.pipeline_mode<synchronous>, transform_indices = @transform_8, window_bounds = array<i64: 1, 128>}, {transform_indices = @transform_9, window_bounds = array<i64: 256, 128>}]} {
    %get3A = arith.constant 0 : index
    %get3A_0 = arith.constant 0 : index
    %get3A_1 = vector.load %arg2[%get3A, %get3A_0] : memref<256x8xf32, #tpu.memory_space<vmem>>, vector<256x8xf32>
    %get3A_2 = arith.constant 0 : index
    %get3A_3 = arith.constant 0 : index
    %get3A_4 = vector.load %arg4[%get3A_2, %get3A_3] : memref<8x128xf32, #tpu.memory_space<vmem>>, vector<8x128xf32>
    %dot_general3A = arith.constant dense<0.000000e+00> : vector<256x128xf32>
    %dot_general3A_5 = tpu.matmul %get3A_1, %get3A_4, %dot_general3A {dimension_numbers = #tpu.dot_dimension_numbers<[1], [0], [0], [1], [0, 0, 1, 1], [], []>, transpose_lhs_hint = false} : vector<256x8xf32>, vector<8x128xf32>, vector<256x128xf32> -> vector<256x128xf32>
    %get3A_6 = arith.constant 0 : index
    %get3A_7 = arith.constant 0 : index
    %get3A_8 = vector.load %arg5[%get3A_6, %get3A_7] : memref<1x128xf32, #tpu.memory_space<vmem>>, vector<1x128xf32>
    %sub3A = vector.broadcast %get3A_8 : vector<1x128xf32> to vector<256x128xf32>
    %sub3A_9 = arith.subf %dot_general3A_5, %sub3A : vector<256x128xf32>
    %get3A_10 = arith.constant 0 : index
    %get3A_11 = arith.constant 0 : index
    %get3A_12 = arith.constant 0 : index
    %get3A_13 = vector.load %arg1[%get3A_10, %get3A_11, %get3A_12] : memref<256x16x128xf32, #tpu.memory_space<vmem>>, vector<256x16x128xf32>
    %broadcast_in_dim3A = vector.shape_cast %sub3A_9 : vector<256x128xf32> to vector<256x1x128xf32>
    %sub3A_14 = vector.broadcast %broadcast_in_dim3A : vector<256x1x128xf32> to vector<256x16x128xf32>
    %sub3A_15 = arith.subf %get3A_13, %sub3A_14 : vector<256x16x128xf32>
    %max3A = arith.constant 0.000000e+00 : f32
    %max3A_16 = vector.broadcast %max3A : f32 to vector<256x16x128xf32>
    %max3A_17 = arith.maximumf %sub3A_15, %max3A_16 : vector<256x16x128xf32>
    %reshape3A = vector.shape_cast %max3A_17 : vector<256x16x128xf32> to vector<4096x128xf32>
    %get3A_18 = arith.constant 0 : index
    %get3A_19 = arith.constant 0 : index
    %get3A_20 = vector.load %arg6[%get3A_18, %get3A_19] : memref<128x128xf32, #tpu.memory_space<vmem>>, vector<128x128xf32>
    %dot_general3A_21 = arith.constant dense<0.000000e+00> : vector<4096x128xf32>
    %dot_general3A_22 = tpu.matmul %reshape3A, %get3A_20, %dot_general3A_21 {dimension_numbers = #tpu.dot_dimension_numbers<[1], [0], [0], [1], [0, 0, 1, 1], [], []>, transpose_lhs_hint = false} : vector<4096x128xf32>, vector<128x128xf32>, vector<4096x128xf32> -> vector<4096x128xf32>
    %get3A_23 = arith.constant 0 : index
    %get3A_24 = arith.constant 0 : index
    %get3A_25 = vector.load %arg7[%get3A_23, %get3A_24] : memref<1x128xf32, #tpu.memory_space<vmem>>, vector<1x128xf32>
    %add3A = vector.broadcast %get3A_25 : vector<1x128xf32> to vector<4096x128xf32>
    %add3A_26 = arith.addf %dot_general3A_22, %add3A : vector<4096x128xf32>
    %max3A_27 = arith.constant 0.000000e+00 : f32
    %max3A_28 = vector.broadcast %max3A_27 : f32 to vector<4096x128xf32>
    %max3A_29 = arith.maximumf %add3A_26, %max3A_28 : vector<4096x128xf32>
    %get3A_30 = arith.constant 0 : index
    %get3A_31 = arith.constant 0 : index
    %get3A_32 = vector.load %arg8[%get3A_30, %get3A_31] : memref<128x128xf32, #tpu.memory_space<vmem>>, vector<128x128xf32>
    %dot_general3A_33 = arith.constant dense<0.000000e+00> : vector<4096x128xf32>
    %dot_general3A_34 = tpu.matmul %max3A_29, %get3A_32, %dot_general3A_33 {dimension_numbers = #tpu.dot_dimension_numbers<[1], [0], [0], [1], [0, 0, 1, 1], [], []>, transpose_lhs_hint = false} : vector<4096x128xf32>, vector<128x128xf32>, vector<4096x128xf32> -> vector<4096x128xf32>
    %get3A_35 = arith.constant 0 : index
    %get3A_36 = arith.constant 0 : index
    %get3A_37 = vector.load %arg9[%get3A_35, %get3A_36] : memref<1x128xf32, #tpu.memory_space<vmem>>, vector<1x128xf32>
    %add3A_38 = vector.broadcast %get3A_37 : vector<1x128xf32> to vector<4096x128xf32>
    %add3A_39 = arith.addf %dot_general3A_34, %add3A_38 : vector<4096x128xf32>
    %max3A_40 = arith.constant 0.000000e+00 : f32
    %max3A_41 = vector.broadcast %max3A_40 : f32 to vector<4096x128xf32>
    %max3A_42 = arith.maximumf %add3A_39, %max3A_41 : vector<4096x128xf32>
    %reshape3A_43 = vector.shape_cast %max3A_42 : vector<4096x128xf32> to vector<256x16x128xf32>
    %get3A_44 = arith.constant 0 : index
    %get3A_45 = arith.constant 0 : index
    %get3A_46 = vector.load %arg3[%get3A_44, %get3A_45] : memref<256x16xi32, #tpu.memory_space<vmem>>, vector<256x16xi32>
    %slice3A = vector.extract_strided_slice %get3A_46 {offsets = [0, 0], sizes = [256, 1], strides = [1, 1]} : vector<256x16xi32> to vector<256x1xi32>
    %iota3A = tpu.iota {dimensions = array<i32: 1>} : vector<256x16x128xi32>
    %broadcast_in_dim3A_47 = vector.shape_cast %slice3A : vector<256x1xi32> to vector<256x1x1xi32>
    %broadcast_in_dim3A_48 = vector.broadcast %broadcast_in_dim3A_47 : vector<256x1x1xi32> to vector<256x16x128xi32>
    %lt3A = arith.cmpi slt, %iota3A, %broadcast_in_dim3A_48 : vector<256x16x128xi32>
    %jit3A = arith.constant 0.000000e+00 : f32
    %broadcast_in_dim3A_49 = vector.broadcast %jit3A : f32 to vector<256x16x128xf32>
    %select_n3A = arith.select %lt3A, %reshape3A_43, %broadcast_in_dim3A_49 : vector<256x16x128xi1>, vector<256x16x128xf32>
    %reduce_max3A = arith.constant dense<0xFF800000> : vector<256x128xf32>
    %reduce_max3A_50 = vector.multi_reduction <maximumf>, %select_n3A, %reduce_max3A [1] : vector<256x16x128xf32> to vector<256x128xf32>
    %swap3A = arith.constant 0 : index
    %swap3A_51 = arith.constant 0 : index
    %swap3A_52 = vector.load %arg10[%swap3A, %swap3A_51] : memref<256x128xf32, #tpu.memory_space<vmem>>, vector<256x128xf32>
    tpu.vector_store %arg10[%swap3A, %swap3A_51], %reduce_max3A_50 {strides = array<i32>} : memref<256x128xf32, #tpu.memory_space<vmem>>, vector<256x128xf32>,
    return
  }
  func.func @transform_0(%arg0: i32) -> (i32, i32, i32) {
    %c0_i32 = arith.constant 0 : i32
    %c0_i32_0 = arith.constant 0 : i32
    %c0_i32_1 = arith.constant 0 : i32
    return %arg0, %c0_i32, %c0_i32_0 : i32, i32, i32
  }
  func.func @transform_1(%arg0: i32) -> (i32, i32) {
    %c0_i32 = arith.constant 0 : i32
    %c0_i32_0 = arith.constant 0 : i32
    return %arg0, %c0_i32 : i32, i32
  }
  func.func @transform_2(%arg0: i32) -> (i32, i32) {
    %c0_i32 = arith.constant 0 : i32
    %c0_i32_0 = arith.constant 0 : i32
    return %arg0, %c0_i32 : i32, i32
  }
  func.func @transform_3(%arg0: i32) -> (i32, i32) {
    %c0_i32 = arith.constant 0 : i32
    %c0_i32_0 = arith.constant 0 : i32
    %c0_i32_1 = arith.constant 0 : i32
    return %c0_i32, %c0_i32_0 : i32, i32
  }
  func.func @transform_4(%arg0: i32) -> (i32, i32) {
    %c0_i32 = arith.constant 0 : i32
    %c0_i32_0 = arith.constant 0 : i32
    %c0_i32_1 = arith.constant 0 : i32
    return %c0_i32, %c0_i32_0 : i32, i32
  }
  func.func @transform_5(%arg0: i32) -> (i32, i32) {
    %c0_i32 = arith.constant 0 : i32
    %c0_i32_0 = arith.constant 0 : i32
    %c0_i32_1 = arith.constant 0 : i32
    return %c0_i32, %c0_i32_0 : i32, i32
  }
  func.func @transform_6(%arg0: i32) -> (i32, i32) {
    %c0_i32 = arith.constant 0 : i32
    %c0_i32_0 = arith.constant 0 : i32
    %c0_i32_1 = arith.constant 0 : i32
    return %c0_i32, %c0_i32_0 : i32, i32
  }
  func.func @transform_7(%arg0: i32) -> (i32, i32) {
    %c0_i32 = arith.constant 0 : i32
    %c0_i32_0 = arith.constant 0 : i32
    %c0_i32_1 = arith.constant 0 : i32
    return %c0_i32, %c0_i32_0 : i32, i32
  }
  func.func @transform_8(%arg0: i32) -> (i32, i32) {
    %c0_i32 = arith.constant 0 : i32
    %c0_i32_0 = arith.constant 0 : i32
    %c0_i32_1 = arith.constant 0 : i32
    return %c0_i32, %c0_i32_0 : i32, i32
  }
  func.func @transform_9(%arg0: i32) -> (i32, i32) {
    %c0_i32 = arith.constant 0 : i32
    %c0_i32_0 = arith.constant 0 : i32
    return %arg0, %c0_i32 : i32, i32
  }
}

module attributes {stable_mosaic.version = 14 : i64} {
  func.func @_mlp_kernel(%arg0: i32, %arg1: memref<256x32x128xf32, #tpu.memory_space<vmem>>, %arg2: memref<256x8xf32, #tpu.memory_space<vmem>>, %arg3: memref<256x16xi32, #tpu.memory_space<vmem>>, %arg4: memref<8x128xf32, #tpu.memory_space<vmem>>, %arg5: memref<1x128xf32, #tpu.memory_space<vmem>>, %arg6: memref<128x128xf32, #tpu.memory_space<vmem>>, %arg7: memref<1x128xf32, #tpu.memory_space<vmem>>, %arg8: memref<128x128xf32, #tpu.memory_space<vmem>>, %arg9: memref<1x128xf32, #tpu.memory_space<vmem>>, %arg10: memref<256x128xf32, #tpu.memory_space<vmem>>) attributes {dimension_semantics = [#tpu.dimension_semantics<arbitrary>], iteration_bounds = array<i64: 16>, scalar_prefetch = 0 : i64, scratch_operands = 0 : i64, tpu.core_type = #tpu.core_type<tc>, window_params = [{transform_indices = @transform_0, window_bounds = array<i64: 256, 32, 128>}, {transform_indices = @transform_1, window_bounds = array<i64: 256, 8>}, {transform_indices = @transform_2, window_bounds = array<i64: 256, 16>}, {pipeline_mode = #tpu.pipeline_mode<synchronous>, transform_indices = @transform_3, window_bounds = array<i64: 8, 128>}, {pipeline_mode = #tpu.pipeline_mode<synchronous>, transform_indices = @transform_4, window_bounds = array<i64: 1, 128>}, {pipeline_mode = #tpu.pipeline_mode<synchronous>, transform_indices = @transform_5, window_bounds = array<i64: 128, 128>}, {pipeline_mode = #tpu.pipeline_mode<synchronous>, transform_indices = @transform_6, window_bounds = array<i64: 1, 128>}, {pipeline_mode = #tpu.pipeline_mode<synchronous>, transform_indices = @transform_7, window_bounds = array<i64: 128, 128>}, {pipeline_mode = #tpu.pipeline_mode<synchronous>, transform_indices = @transform_8, window_bounds = array<i64: 1, 128>}, {transform_indices = @transform_9, window_bounds = array<i64: 256, 128>}]} {
    %get3A = arith.constant 0 : index
    %get3A_0 = arith.constant 0 : index
    %get3A_1 = vector.load %arg2[%get3A, %get3A_0] : memref<256x8xf32, #tpu.memory_space<vmem>>, vector<256x8xf32>
    %get3A_2 = arith.constant 0 : index
    %get3A_3 = arith.constant 0 : index
    %get3A_4 = vector.load %arg4[%get3A_2, %get3A_3] : memref<8x128xf32, #tpu.memory_space<vmem>>, vector<8x128xf32>
    %dot_general3A = arith.constant dense<0.000000e+00> : vector<256x128xf32>
    %dot_general3A_5 = tpu.matmul %get3A_1, %get3A_4, %dot_general3A {dimension_numbers = #tpu.dot_dimension_numbers<[1], [0], [0], [1], [0, 0, 1, 1], [], []>, transpose_lhs_hint = false} : vector<256x8xf32>, vector<8x128xf32>, vector<256x128xf32> -> vector<256x128xf32>
    %get3A_6 = arith.constant 0 : index
    %get3A_7 = arith.constant 0 : index
    %get3A_8 = vector.load %arg5[%get3A_6, %get3A_7] : memref<1x128xf32, #tpu.memory_space<vmem>>, vector<1x128xf32>
    %sub3A = vector.broadcast %get3A_8 : vector<1x128xf32> to vector<256x128xf32>
    %sub3A_9 = arith.subf %dot_general3A_5, %sub3A : vector<256x128xf32>
    %get3A_10 = arith.constant 0 : index
    %get3A_11 = arith.constant 0 : index
    %get3A_12 = arith.constant 0 : index
    %get3A_13 = vector.load %arg1[%get3A_10, %get3A_11, %get3A_12] : memref<256x32x128xf32, #tpu.memory_space<vmem>>, vector<256x32x128xf32>
    %broadcast_in_dim3A = vector.shape_cast %sub3A_9 : vector<256x128xf32> to vector<256x1x128xf32>
    %sub3A_14 = vector.broadcast %broadcast_in_dim3A : vector<256x1x128xf32> to vector<256x32x128xf32>
    %sub3A_15 = arith.subf %get3A_13, %sub3A_14 : vector<256x32x128xf32>
    %max3A = arith.constant 0.000000e+00 : f32
    %max3A_16 = vector.broadcast %max3A : f32 to vector<256x32x128xf32>
    %max3A_17 = arith.maximumf %sub3A_15, %max3A_16 : vector<256x32x128xf32>
    %reshape3A = vector.shape_cast %max3A_17 : vector<256x32x128xf32> to vector<8192x128xf32>
    %get3A_18 = arith.constant 0 : index
    %get3A_19 = arith.constant 0 : index
    %get3A_20 = vector.load %arg6[%get3A_18, %get3A_19] : memref<128x128xf32, #tpu.memory_space<vmem>>, vector<128x128xf32>
    %dot_general3A_21 = arith.constant dense<0.000000e+00> : vector<8192x128xf32>
    %dot_general3A_22 = tpu.matmul %reshape3A, %get3A_20, %dot_general3A_21 {dimension_numbers = #tpu.dot_dimension_numbers<[1], [0], [0], [1], [0, 0, 1, 1], [], []>, transpose_lhs_hint = false} : vector<8192x128xf32>, vector<128x128xf32>, vector<8192x128xf32> -> vector<8192x128xf32>
    %get3A_23 = arith.constant 0 : index
    %get3A_24 = arith.constant 0 : index
    %get3A_25 = vector.load %arg7[%get3A_23, %get3A_24] : memref<1x128xf32, #tpu.memory_space<vmem>>, vector<1x128xf32>
    %add3A = vector.broadcast %get3A_25 : vector<1x128xf32> to vector<8192x128xf32>
    %add3A_26 = arith.addf %dot_general3A_22, %add3A : vector<8192x128xf32>
    %max3A_27 = arith.constant 0.000000e+00 : f32
    %max3A_28 = vector.broadcast %max3A_27 : f32 to vector<8192x128xf32>
    %max3A_29 = arith.maximumf %add3A_26, %max3A_28 : vector<8192x128xf32>
    %get3A_30 = arith.constant 0 : index
    %get3A_31 = arith.constant 0 : index
    %get3A_32 = vector.load %arg8[%get3A_30, %get3A_31] : memref<128x128xf32, #tpu.memory_space<vmem>>, vector<128x128xf32>
    %dot_general3A_33 = arith.constant dense<0.000000e+00> : vector<8192x128xf32>
    %dot_general3A_34 = tpu.matmul %max3A_29, %get3A_32, %dot_general3A_33 {dimension_numbers = #tpu.dot_dimension_numbers<[1], [0], [0], [1], [0, 0, 1, 1], [], []>, transpose_lhs_hint = false} : vector<8192x128xf32>, vector<128x128xf32>, vector<8192x128xf32> -> vector<8192x128xf32>
    %get3A_35 = arith.constant 0 : index
    %get3A_36 = arith.constant 0 : index
    %get3A_37 = vector.load %arg9[%get3A_35, %get3A_36] : memref<1x128xf32, #tpu.memory_space<vmem>>, vector<1x128xf32>
    %add3A_38 = vector.broadcast %get3A_37 : vector<1x128xf32> to vector<8192x128xf32>
    %add3A_39 = arith.addf %dot_general3A_34, %add3A_38 : vector<8192x128xf32>
    %max3A_40 = arith.constant 0.000000e+00 : f32
    %max3A_41 = vector.broadcast %max3A_40 : f32 to vector<8192x128xf32>
    %max3A_42 = arith.maximumf %add3A_39, %max3A_41 : vector<8192x128xf32>
    %reshape3A_43 = vector.shape_cast %max3A_42 : vector<8192x128xf32> to vector<256x32x128xf32>
    %get3A_44 = arith.constant 0 : index
    %get3A_45 = arith.constant 0 : index
    %get3A_46 = vector.load %arg3[%get3A_44, %get3A_45] : memref<256x16xi32, #tpu.memory_space<vmem>>, vector<256x16xi32>
    %slice3A = vector.extract_strided_slice %get3A_46 {offsets = [0, 1], sizes = [256, 1], strides = [1, 1]} : vector<256x16xi32> to vector<256x1xi32>
    %iota3A = tpu.iota {dimensions = array<i32: 1>} : vector<256x32x128xi32>
    %broadcast_in_dim3A_47 = vector.shape_cast %slice3A : vector<256x1xi32> to vector<256x1x1xi32>
    %broadcast_in_dim3A_48 = vector.broadcast %broadcast_in_dim3A_47 : vector<256x1x1xi32> to vector<256x32x128xi32>
    %lt3A = arith.cmpi slt, %iota3A, %broadcast_in_dim3A_48 : vector<256x32x128xi32>
    %jit3A = arith.constant 0.000000e+00 : f32
    %broadcast_in_dim3A_49 = vector.broadcast %jit3A : f32 to vector<256x32x128xf32>
    %select_n3A = arith.select %lt3A, %reshape3A_43, %broadcast_in_dim3A_49 : vector<256x32x128xi1>, vector<256x32x128xf32>
    %reduce_max3A = arith.constant dense<0xFF800000> : vector<256x128xf32>
    %reduce_max3A_50 = vector.multi_reduction <maximumf>, %select_n3A, %reduce_max3A [1] : vector<256x32x128xf32> to vector<256x128xf32>
    %swap3A = arith.constant 0 : index
    %swap3A_51 = arith.constant 0 : index
    %swap3A_52 = vector.load %arg10[%swap3A, %swap3A_51] : memref<256x128xf32, #tpu.memory_space<vmem>>, vector<256x128xf32>
    tpu.vector_store %arg10[%swap3A, %swap3A_51], %reduce_max3A_50 {strides = array<i32>} : memref<256x128xf32, #tpu.memory_space<vmem>>, vector<256x128xf32>,
    return
  }
  func.func @transform_0(%arg0: i32) -> (i32, i32, i32) {
    %c0_i32 = arith.constant 0 : i32
    %c0_i32_0 = arith.constant 0 : i32
    %c0_i32_1 = arith.constant 0 : i32
    return %arg0, %c0_i32, %c0_i32_0 : i32, i32, i32
  }
  func.func @transform_1(%arg0: i32) -> (i32, i32) {
    %c0_i32 = arith.constant 0 : i32
    %c0_i32_0 = arith.constant 0 : i32
    return %arg0, %c0_i32 : i32, i32
  }
  func.func @transform_2(%arg0: i32) -> (i32, i32) {
    %c0_i32 = arith.constant 0 : i32
    %c0_i32_0 = arith.constant 0 : i32
    return %arg0, %c0_i32 : i32, i32
  }
  func.func @transform_3(%arg0: i32) -> (i32, i32) {
    %c0_i32 = arith.constant 0 : i32
    %c0_i32_0 = arith.constant 0 : i32
    %c0_i32_1 = arith.constant 0 : i32
    return %c0_i32, %c0_i32_0 : i32, i32
  }
  func.func @transform_4(%arg0: i32) -> (i32, i32) {
    %c0_i32 = arith.constant 0 : i32
    %c0_i32_0 = arith.constant 0 : i32
    %c0_i32_1 = arith.constant 0 : i32
    return %c0_i32, %c0_i32_0 : i32, i32
  }
  func.func @transform_5(%arg0: i32) -> (i32, i32) {
    %c0_i32 = arith.constant 0 : i32
    %c0_i32_0 = arith.constant 0 : i32
    %c0_i32_1 = arith.constant 0 : i32
    return %c0_i32, %c0_i32_0 : i32, i32
  }
  func.func @transform_6(%arg0: i32) -> (i32, i32) {
    %c0_i32 = arith.constant 0 : i32
    %c0_i32_0 = arith.constant 0 : i32
    %c0_i32_1 = arith.constant 0 : i32
    return %c0_i32, %c0_i32_0 : i32, i32
  }
  func.func @transform_7(%arg0: i32) -> (i32, i32) {
    %c0_i32 = arith.constant 0 : i32
    %c0_i32_0 = arith.constant 0 : i32
    %c0_i32_1 = arith.constant 0 : i32
    return %c0_i32, %c0_i32_0 : i32, i32
  }
  func.func @transform_8(%arg0: i32) -> (i32, i32) {
    %c0_i32 = arith.constant 0 : i32
    %c0_i32_0 = arith.constant 0 : i32
    %c0_i32_1 = arith.constant 0 : i32
    return %c0_i32, %c0_i32_0 : i32, i32
  }
  func.func @transform_9(%arg0: i32) -> (i32, i32) {
    %c0_i32 = arith.constant 0 : i32
    %c0_i32_0 = arith.constant 0 : i32
    return %arg0, %c0_i32 : i32, i32
  }
}

module attributes {stable_mosaic.version = 14 : i64} {
  func.func @_mlp_kernel(%arg0: i32, %arg1: memref<64x128x128xf32, #tpu.memory_space<vmem>>, %arg2: memref<64x8xf32, #tpu.memory_space<vmem>>, %arg3: memref<64x16xi32, #tpu.memory_space<vmem>>, %arg4: memref<8x128xf32, #tpu.memory_space<vmem>>, %arg5: memref<1x128xf32, #tpu.memory_space<vmem>>, %arg6: memref<128x128xf32, #tpu.memory_space<vmem>>, %arg7: memref<1x128xf32, #tpu.memory_space<vmem>>, %arg8: memref<128x128xf32, #tpu.memory_space<vmem>>, %arg9: memref<1x128xf32, #tpu.memory_space<vmem>>, %arg10: memref<64x128xf32, #tpu.memory_space<vmem>>) attributes {dimension_semantics = [#tpu.dimension_semantics<arbitrary>], iteration_bounds = array<i64: 64>, scalar_prefetch = 0 : i64, scratch_operands = 0 : i64, tpu.core_type = #tpu.core_type<tc>, window_params = [{transform_indices = @transform_0, window_bounds = array<i64: 64, 128, 128>}, {transform_indices = @transform_1, window_bounds = array<i64: 64, 8>}, {transform_indices = @transform_2, window_bounds = array<i64: 64, 16>}, {pipeline_mode = #tpu.pipeline_mode<synchronous>, transform_indices = @transform_3, window_bounds = array<i64: 8, 128>}, {pipeline_mode = #tpu.pipeline_mode<synchronous>, transform_indices = @transform_4, window_bounds = array<i64: 1, 128>}, {pipeline_mode = #tpu.pipeline_mode<synchronous>, transform_indices = @transform_5, window_bounds = array<i64: 128, 128>}, {pipeline_mode = #tpu.pipeline_mode<synchronous>, transform_indices = @transform_6, window_bounds = array<i64: 1, 128>}, {pipeline_mode = #tpu.pipeline_mode<synchronous>, transform_indices = @transform_7, window_bounds = array<i64: 128, 128>}, {pipeline_mode = #tpu.pipeline_mode<synchronous>, transform_indices = @transform_8, window_bounds = array<i64: 1, 128>}, {transform_indices = @transform_9, window_bounds = array<i64: 64, 128>}]} {
    %get3A = arith.constant 0 : index
    %get3A_0 = arith.constant 0 : index
    %get3A_1 = vector.load %arg2[%get3A, %get3A_0] : memref<64x8xf32, #tpu.memory_space<vmem>>, vector<64x8xf32>
    %get3A_2 = arith.constant 0 : index
    %get3A_3 = arith.constant 0 : index
    %get3A_4 = vector.load %arg4[%get3A_2, %get3A_3] : memref<8x128xf32, #tpu.memory_space<vmem>>, vector<8x128xf32>
    %dot_general3A = arith.constant dense<0.000000e+00> : vector<64x128xf32>
    %dot_general3A_5 = tpu.matmul %get3A_1, %get3A_4, %dot_general3A {dimension_numbers = #tpu.dot_dimension_numbers<[1], [0], [0], [1], [0, 0, 1, 1], [], []>, transpose_lhs_hint = false} : vector<64x8xf32>, vector<8x128xf32>, vector<64x128xf32> -> vector<64x128xf32>
    %get3A_6 = arith.constant 0 : index
    %get3A_7 = arith.constant 0 : index
    %get3A_8 = vector.load %arg5[%get3A_6, %get3A_7] : memref<1x128xf32, #tpu.memory_space<vmem>>, vector<1x128xf32>
    %sub3A = vector.broadcast %get3A_8 : vector<1x128xf32> to vector<64x128xf32>
    %sub3A_9 = arith.subf %dot_general3A_5, %sub3A : vector<64x128xf32>
    %get3A_10 = arith.constant 0 : index
    %get3A_11 = arith.constant 0 : index
    %get3A_12 = arith.constant 0 : index
    %get3A_13 = vector.load %arg1[%get3A_10, %get3A_11, %get3A_12] : memref<64x128x128xf32, #tpu.memory_space<vmem>>, vector<64x128x128xf32>
    %broadcast_in_dim3A = vector.shape_cast %sub3A_9 : vector<64x128xf32> to vector<64x1x128xf32>
    %sub3A_14 = vector.broadcast %broadcast_in_dim3A : vector<64x1x128xf32> to vector<64x128x128xf32>
    %sub3A_15 = arith.subf %get3A_13, %sub3A_14 : vector<64x128x128xf32>
    %max3A = arith.constant 0.000000e+00 : f32
    %max3A_16 = vector.broadcast %max3A : f32 to vector<64x128x128xf32>
    %max3A_17 = arith.maximumf %sub3A_15, %max3A_16 : vector<64x128x128xf32>
    %reshape3A = vector.shape_cast %max3A_17 : vector<64x128x128xf32> to vector<8192x128xf32>
    %get3A_18 = arith.constant 0 : index
    %get3A_19 = arith.constant 0 : index
    %get3A_20 = vector.load %arg6[%get3A_18, %get3A_19] : memref<128x128xf32, #tpu.memory_space<vmem>>, vector<128x128xf32>
    %dot_general3A_21 = arith.constant dense<0.000000e+00> : vector<8192x128xf32>
    %dot_general3A_22 = tpu.matmul %reshape3A, %get3A_20, %dot_general3A_21 {dimension_numbers = #tpu.dot_dimension_numbers<[1], [0], [0], [1], [0, 0, 1, 1], [], []>, transpose_lhs_hint = false} : vector<8192x128xf32>, vector<128x128xf32>, vector<8192x128xf32> -> vector<8192x128xf32>
    %get3A_23 = arith.constant 0 : index
    %get3A_24 = arith.constant 0 : index
    %get3A_25 = vector.load %arg7[%get3A_23, %get3A_24] : memref<1x128xf32, #tpu.memory_space<vmem>>, vector<1x128xf32>
    %add3A = vector.broadcast %get3A_25 : vector<1x128xf32> to vector<8192x128xf32>
    %add3A_26 = arith.addf %dot_general3A_22, %add3A : vector<8192x128xf32>
    %max3A_27 = arith.constant 0.000000e+00 : f32
    %max3A_28 = vector.broadcast %max3A_27 : f32 to vector<8192x128xf32>
    %max3A_29 = arith.maximumf %add3A_26, %max3A_28 : vector<8192x128xf32>
    %get3A_30 = arith.constant 0 : index
    %get3A_31 = arith.constant 0 : index
    %get3A_32 = vector.load %arg8[%get3A_30, %get3A_31] : memref<128x128xf32, #tpu.memory_space<vmem>>, vector<128x128xf32>
    %dot_general3A_33 = arith.constant dense<0.000000e+00> : vector<8192x128xf32>
    %dot_general3A_34 = tpu.matmul %max3A_29, %get3A_32, %dot_general3A_33 {dimension_numbers = #tpu.dot_dimension_numbers<[1], [0], [0], [1], [0, 0, 1, 1], [], []>, transpose_lhs_hint = false} : vector<8192x128xf32>, vector<128x128xf32>, vector<8192x128xf32> -> vector<8192x128xf32>
    %get3A_35 = arith.constant 0 : index
    %get3A_36 = arith.constant 0 : index
    %get3A_37 = vector.load %arg9[%get3A_35, %get3A_36] : memref<1x128xf32, #tpu.memory_space<vmem>>, vector<1x128xf32>
    %add3A_38 = vector.broadcast %get3A_37 : vector<1x128xf32> to vector<8192x128xf32>
    %add3A_39 = arith.addf %dot_general3A_34, %add3A_38 : vector<8192x128xf32>
    %max3A_40 = arith.constant 0.000000e+00 : f32
    %max3A_41 = vector.broadcast %max3A_40 : f32 to vector<8192x128xf32>
    %max3A_42 = arith.maximumf %add3A_39, %max3A_41 : vector<8192x128xf32>
    %reshape3A_43 = vector.shape_cast %max3A_42 : vector<8192x128xf32> to vector<64x128x128xf32>
    %get3A_44 = arith.constant 0 : index
    %get3A_45 = arith.constant 0 : index
    %get3A_46 = vector.load %arg3[%get3A_44, %get3A_45] : memref<64x16xi32, #tpu.memory_space<vmem>>, vector<64x16xi32>
    %slice3A = vector.extract_strided_slice %get3A_46 {offsets = [0, 2], sizes = [64, 1], strides = [1, 1]} : vector<64x16xi32> to vector<64x1xi32>
    %iota3A = tpu.iota {dimensions = array<i32: 1>} : vector<64x128x128xi32>
    %broadcast_in_dim3A_47 = vector.shape_cast %slice3A : vector<64x1xi32> to vector<64x1x1xi32>
    %broadcast_in_dim3A_48 = vector.broadcast %broadcast_in_dim3A_47 : vector<64x1x1xi32> to vector<64x128x128xi32>
    %lt3A = arith.cmpi slt, %iota3A, %broadcast_in_dim3A_48 : vector<64x128x128xi32>
    %jit3A = arith.constant 0.000000e+00 : f32
    %broadcast_in_dim3A_49 = vector.broadcast %jit3A : f32 to vector<64x128x128xf32>
    %select_n3A = arith.select %lt3A, %reshape3A_43, %broadcast_in_dim3A_49 : vector<64x128x128xi1>, vector<64x128x128xf32>
    %reduce_max3A = arith.constant dense<0xFF800000> : vector<64x128xf32>
    %reduce_max3A_50 = vector.multi_reduction <maximumf>, %select_n3A, %reduce_max3A [1] : vector<64x128x128xf32> to vector<64x128xf32>
    %swap3A = arith.constant 0 : index
    %swap3A_51 = arith.constant 0 : index
    %swap3A_52 = vector.load %arg10[%swap3A, %swap3A_51] : memref<64x128xf32, #tpu.memory_space<vmem>>, vector<64x128xf32>
    tpu.vector_store %arg10[%swap3A, %swap3A_51], %reduce_max3A_50 {strides = array<i32>} : memref<64x128xf32, #tpu.memory_space<vmem>>, vector<64x128xf32>,
    return
  }
  func.func @transform_0(%arg0: i32) -> (i32, i32, i32) {
    %c0_i32 = arith.constant 0 : i32
    %c0_i32_0 = arith.constant 0 : i32
    %c0_i32_1 = arith.constant 0 : i32
    return %arg0, %c0_i32, %c0_i32_0 : i32, i32, i32
  }
  func.func @transform_1(%arg0: i32) -> (i32, i32) {
    %c0_i32 = arith.constant 0 : i32
    %c0_i32_0 = arith.constant 0 : i32
    return %arg0, %c0_i32 : i32, i32
  }
  func.func @transform_2(%arg0: i32) -> (i32, i32) {
    %c0_i32 = arith.constant 0 : i32
    %c0_i32_0 = arith.constant 0 : i32
    return %arg0, %c0_i32 : i32, i32
  }
  func.func @transform_3(%arg0: i32) -> (i32, i32) {
    %c0_i32 = arith.constant 0 : i32
    %c0_i32_0 = arith.constant 0 : i32
    %c0_i32_1 = arith.constant 0 : i32
    return %c0_i32, %c0_i32_0 : i32, i32
  }
  func.func @transform_4(%arg0: i32) -> (i32, i32) {
    %c0_i32 = arith.constant 0 : i32
    %c0_i32_0 = arith.constant 0 : i32
    %c0_i32_1 = arith.constant 0 : i32
    return %c0_i32, %c0_i32_0 : i32, i32
  }
  func.func @transform_5(%arg0: i32) -> (i32, i32) {
    %c0_i32 = arith.constant 0 : i32
    %c0_i32_0 = arith.constant 0 : i32
    %c0_i32_1 = arith.constant 0 : i32
    return %c0_i32, %c0_i32_0 : i32, i32
  }
  func.func @transform_6(%arg0: i32) -> (i32, i32) {
    %c0_i32 = arith.constant 0 : i32
    %c0_i32_0 = arith.constant 0 : i32
    %c0_i32_1 = arith.constant 0 : i32
    return %c0_i32, %c0_i32_0 : i32, i32
  }
  func.func @transform_7(%arg0: i32) -> (i32, i32) {
    %c0_i32 = arith.constant 0 : i32
    %c0_i32_0 = arith.constant 0 : i32
    %c0_i32_1 = arith.constant 0 : i32
    return %c0_i32, %c0_i32_0 : i32, i32
  }
  func.func @transform_8(%arg0: i32) -> (i32, i32) {
    %c0_i32 = arith.constant 0 : i32
    %c0_i32_0 = arith.constant 0 : i32
    %c0_i32_1 = arith.constant 0 : i32
    return %c0_i32, %c0_i32_0 : i32, i32
  }
  func.func @transform_9(%arg0: i32) -> (i32, i32) {
    %c0_i32 = arith.constant 0 : i32
    %c0_i32_0 = arith.constant 0 : i32
    return %arg0, %c0_i32 : i32, i32
  }
}

</mosaic_0001>

<sc_bundles>
// kernel: kernel.9.cloned.1.call-start
scs
__scs_entry_jumppad:
0x0: {  	(pc) =	sbr.rel $0x88, $3  }
0x1: {  	(tag) =	ssettag $0x0;
	lr =	simm.s32 $0x1  }
0x2: {  	[smem:$0x3F69] =	sst lr;
	_ =	strace $0xD0000000  }
0x3: {  	_ = 	snop  }
0x4: {  	_ = 	snop  }
0x5: {  	_ = 	snop  }
0x6: {  	_ = 	snop  }
0x7: {  	_ = 	snop  }
__scs_overlays_trampoline_lowered:
0x8: {  	[smem:$0x3F78] =	sst s0  }
0x9: {  	[smem:$0x3F79] =	sst s1  }
0xa: {  	[smem:$0x3F7A] =	sst s2  }
0xb: {  	[smem:$0x3F7B] =	sst s3  }
0xc: {  	[smem:$0x3F7C] =	sst s4  }
0xd: {  	[smem:$0x3F7D] =	sst s5  }
0xe: {  	[smem:$0x3F7E] =	sst s6  }
0xf: {  	[smem:$0x3F7F] =	sst s7  }
0x10: {  	[smem:$0x3F80] =	sst s8  }
0x11: {  	[smem:$0x3F81] =	sst s9;
	s0 =	simm.s32 @!p0 $0x0  }
0x12: {  	s1 =	sld [smem:$0x3F67];
	s0 =	simm.s32 @p0 $0x1  }
0x13: {  	[smem:$0x3F82] =	sst s0;
	s0 =	simm.s32 @!p1 $0x0  }
0x14: {  	s2 =	sld [smem:$0x3F66];
	s0 =	simm.s32 @p1 $0x1  }
0x15: {  	[smem:$0x3F83] =	sst s0;
	s0 =	simm.s32 @!p2 $0x0  }
0x16: {  	s3 =	sld [smem:$0x3FDB];
	s0 =	simm.s32 @p2 $0x1  }
0x17: {  	s4 =	simm.s32 $0x1BF5;
	[smem:$0x3F85] =	sst s0  }
0x18: {  	s0 =	sld [smem:$0x3F68];
	_ =	swait.ge [sflag:s4], $0x0  }
0x19: {  	s7 =	sld [smem:$0x3F69]  }
0x1a: {  	s8 =	sadd.s32 $0xFFFFE003, lr  }
0x1b: {  	s9 =	sadd.s32 $0xFFFFFEF7, lr;
	s5 =	simm.s32 $0xFFFFFFFF;
	p2 =	slt.u32 s8, $0xFFFFF086  }
0x1c: {  	p1 =	slt.u32 s9, $0xF7A;
	s5 =	simm.s32 @!p2 $0x0  }
0x1d: {  	s5 =	simm.s32 @p1 $0x1;
	p0 =	seq.s32 s7, s2  }
0x1e: {  	s7 =	smul.u32 @!p0 $0xF7A, s2;
	p2 =	seq.s32 @!p0 s5, $0x0  }
0x1f: {  	s9 =	smul.u32 $0xF7A, s1;
	s8 =	simm.s32 @!p0 $0x1BF5;
	p2 =	por !p2, p0  }
0x20: {  	[sflag:s8] =	ssyncset.s32 @!p0 $0xFFFFF086;
	s6 =	sadd.s32 @!p0 s3, s7;
	s7 =	simm.s32 @!p0 $0x108  }
0x21: {  	s3 =	sadd.s32 s3, s9;
	s6 =	sadd.s32 @!p0 $0x88, s6;
	s7 =	simm.s32 @p2 $0x1082  }
0x22: {  	[simem:s7], [sflag:s8] =	dma.local @!p0 [hbm:s6], $0xF7A  }
0x23: {  	s9 =	sor.u32 $0xD0000000, s2;
	s6 =	simm.s32 $0x108;
	_ =	swait.ge @!p0 [sflag:s8], $0x0  }
0x24: {  	s3 =	sadd.s32 $0x88, s3;
	s6 =	simm.s32 @!p1 $0x1082;
	[sflag:s4] =	ssyncset.s32 $0xFFFFF086  }
0x25: {  	[simem:s6], [sflag:s4] =	dma.local [hbm:s3], $0xF7A  }
0x26: {  	[smem:$0x3F69] =	sst s1;
	(tag) =	ssettag s2;
	_ =	strace s9  }
0x27: {  	s1 =	sld [smem:$0x3F79]  }
0x28: {  	s2 =	sld [smem:$0x3F7A]  }
0x29: {  	s4 =	sld [smem:$0x3F7C]  }
0x2a: {  	p0 =	seq.s32 s5, $0x0;
	s5 =	sld [smem:$0x3F7D]  }
0x2b: {  	s6 =	sld [smem:$0x3F7E]  }
0x2c: {  	s7 =	sld [smem:$0x3F7F]  }
0x2d: {  	s3 =	simm.s32 $0x108;
	s8 =	sld [smem:$0x3F80]  }
0x2e: {  	s3 =	simm.s32 @!p0 $0x1082;
	s9 =	sld [smem:$0x3F81]  }
0x2f: {  	lr =	sadd.s32 s0, s3;
	s0 =	sld [smem:$0x3F78]  }
0x30: {  	s3 =	sld [smem:$0x3F7B]  }
0x31: {  	[smem:$0x3F84] =	sst s10  }
0x32: {  	s10 =	sld [smem:$0x3F82];
	_ =	sdelay $0x3  }
0x33: {  	p0 =	seq.s32 s10, $0x1;
	s10 =	sld [smem:$0x3F84];
	_ =	sdelay $0x3  }
0x34: {  	[smem:$0x3F84] =	sst s10  }
0x35: {  	s10 =	sld [smem:$0x3F83];
	_ =	sdelay $0x3  }
0x36: {  	p1 =	seq.s32 s10, $0x1;
	s10 =	sld [smem:$0x3F84];
	_ =	sdelay $0x3  }
0x37: {  	[smem:$0x3F84] =	sst s10  }
0x38: {  	s10 =	sld [smem:$0x3F85]  }
0x39: {  	_ = 	snop;
	(pc) =	sbr.ind lr, $3  }
0x3a: {  	_ = 	snop  }
0x3b: {  	_ = 	snop  }
0x3c: {  	p2 =	seq.s32 s10, $0x1;
	s10 =	sld [smem:$0x3F84]  }
0x3d: {  	_ =	shalt  }
0x3e: {  	_ =	shalt  }
0x3f: {  	_ =	shalt  }
0x40: {  	_ =	shalt  }
0x41: {  	_ =	shalt  }
0x42: {  	_ =	shalt  }
0x43: {  	_ =	shalt  }
0x44: {  	_ =	shalt  }
0x45: {  	_ =	shalt  }
0x46: {  	_ =	shalt  }
0x47: {  	_ =	shalt  }
0x48: {  	_ =	shalt  }
0x49: {  	_ =	shalt  }
0x4a: {  	_ =	shalt  }
0x4b: {  	_ =	shalt  }
0x4c: {  	_ =	shalt  }
0x4d: {  	_ =	shalt  }
0x4e: {  	_ =	shalt  }
0x4f: {  	_ =	shalt  }
0x50: {  	_ =	shalt  }
0x51: {  	_ =	shalt  }
0x52: {  	_ =	shalt  }
0x53: {  	_ =	shalt  }
0x54: {  	_ =	shalt  }
0x55: {  	_ =	shalt  }
0x56: {  	_ =	shalt  }
0x57: {  	_ =	shalt  }
0x58: {  	_ =	shalt  }
0x59: {  	_ =	shalt  }
0x5a: {  	_ =	shalt  }
0x5b: {  	_ =	shalt  }
0x5c: {  	_ =	shalt  }
0x5d: {  	_ =	shalt  }
0x5e: {  	_ =	shalt  }
0x5f: {  	_ =	shalt  }
0x60: {  	_ =	shalt  }
0x61: {  	_ =	shalt  }
0x62: {  	_ =	shalt  }
0x63: {  	_ =	shalt  }
0x64: {  	_ =	shalt  }
0x65: {  	_ =	shalt  }
0x66: {  	_ =	shalt  }
0x67: {  	_ =	shalt  }
0x68: {  	_ =	shalt  }
0x69: {  	_ =	shalt  }
0x6a: {  	_ =	shalt  }
0x6b: {  	_ =	shalt  }
0x6c: {  	_ =	shalt  }
0x6d: {  	_ =	shalt  }
0x6e: {  	_ =	shalt  }
0x6f: {  	_ =	shalt  }
0x70: {  	_ =	shalt  }
0x71: {  	_ =	shalt  }
0x72: {  	_ =	shalt  }
0x73: {  	_ =	shalt  }
0x74: {  	_ =	shalt  }
0x75: {  	_ =	shalt  }
0x76: {  	_ =	shalt  }
0x77: {  	_ =	shalt  }
0x78: {  	_ =	shalt  }
0x79: {  	_ =	shalt  }
0x7a: {  	_ =	shalt  }
0x7b: {  	_ =	shalt  }
0x7c: {  	_ =	shalt  }
0x7d: {  	_ =	shalt  }
0x7e: {  	_ =	shalt  }
0x7f: {  	_ =	shalt  }
0x80: {  	_ =	shalt  }
0x81: {  	_ =	shalt  }
0x82: {  	_ =	shalt  }
0x83: {  	_ =	shalt  }
0x84: {  	_ =	shalt  }
0x85: {  	_ =	shalt  }
0x86: {  	_ =	shalt  }
0x87: {  	_ =	shalt  }
.Lfunc_end0:
.L_simem_size_0:
called_computation_lowered:
.L_overlay_start_0:
0x88: {  	s2 =	sld [smem:$0x3FD9]  }
0x89: {  	s3 =	sld [smem:$0x3FFE];
	_ =	sdelay $0x1  }
0x8a: {  	s1 =	srdreg.scid  }
0x8b: {  	s0 =	sand.u32 $0x1, s1  }
0x8c: {  	s14 =	sshll.u32 s0, $0xA;
	s2 =	sadd.s32 s3, s2  }
0x8d: {  	s2 =	sadd.s32 s2, s14  }
0x8e: {  	[smem:$0x3F90] =	sst s2  }
0x8f: {  	_ = 	snop  }
0x90: {  	s2 =	sld [smem:$0x3FD0];
	_ =	sdelay $0x2  }
0x91: {  	s15 =	simm.s32 $0xA;
	s4 =	simm.s32 $0x10  }
0x92: {  	[smem:s4], [sflag:s15] =	dma.local [hbm:s2], $0x1  }
0x93: {  	_ =	swait.eq [sflag:s15], $0x1  }
0x94: {  	[sflag:s15] =	ssyncset.done $0x0  }
0x95: {  	[sflag:s15] =	ssyncadd.s32 $0xFFFFFFFF  }
0x96: {  	s16 =	sld [smem:$0x11];
	(tm) =	ssettm $0x1  }
0x97: {  	s17 =	sld [smem:$0x3FFB];
	_ =	sdelay $0x3  }
0x98: {  	_ =	strace s17  }
0x99: {  	s3 =	sld [smem:$0x3FFC];
	_ =	sdelay $0x3  }
0x9a: {  	_ =	strace s3  }
0x9b: {  	s3 =	sld [smem:$0x3FFD];
	_ =	sdelay $0x3  }
0x9c: {  	_ =	strace s3  }
0x9d: {  	_ =	strace $0x8FFFFFFF  }
0x9e: {  	s18 =	sld [smem:$0x3FDB];
	_ =	sdelay $0x1  }
0x9f: {  	s19 =	simm.s32 $_scs_section_size  }
0xa0: {  	s5 =	simm.s32 $_size__tile_overlayer_lowered;
	s6 =	simm.s32 $_tile_overlayer_lowered  }
0xa1: {  	s22 =	simm.s32 $0x1BFF;
	s21 =	sshll.u32 s6, $0x1;
	s3 =	sadd.s32 s19, s18  }
0xa2: {  	s7 =	simm.s32 $0x0;
	s20 =	sshll.u32 s5, $0x1;
	s5 =	sadd.s32 s21, s3  }
0xa3: {  	[timem:s7], [sflag:s22] =	dma.local [hbm:s5], s20  }
0xa4: {  	_ =	swait.ge [sflag:s22], s20  }
0xa5: {  	s4 =	ssub.s32 $0x0, s20;
	[sflag:s22] =	ssyncset.done $0x0  }
0xa6: {  	[sflag:s22] =	ssyncadd.s32 s4;
	_ =	sdelay $0x1  }
0xa7: {  	s23 =	simm.s32 $0x1B8B  }
0xa8: {  	_ =	swait.ge [sflag:s23], $0x1  }
0xa9: {  	[sflag:s23] =	ssyncset.done $0x0  }
0xaa: {  	s25 =	simm.s32 $0x1B8E;
	s24 =	sld [smem:$0x3FFE];
	[sflag:s23] =	ssyncadd.s32 $0xFFFFFFFF  }
0xab: {  	s26 =	simm.s32 $execute0_lowered;
	[smem:$0x3FD2] =	sst s25  }
0xac: {  	s5 =	sshll.u32 s26, $0x1;
	_ =	strace $0x80000046;
	[dreg:$0x1] =	wrdreg $0xFFFFFFFF  }
0xad: {  	s28 =	simm.s32 $_size_execute0_lowered;
	s3 =	sadd.s32 s3, s5;
	[dreg:$0x0] =	wrdreg $0x0  }
0xae: {  	s5 =	sshll.u32 s28, $0x1;
	[dreg:$0x2] =	wrdreg s3  }
0xaf: {  	[dreg:$0x3] =	wrdreg s5  }
0xb0: {  	[dreg:$0x4] =	wrdreg $0xC0  }
0xb1: {  	_ =	task [dreg:s7], $0x5FFFF  }
0xb2: {  	[dreg:$0x1] =	wrdreg $0xFFFFFFFF  }
0xb3: {  	[dreg:$0x0] =	wrdreg $0x60  }
0xb4: {  	[dreg:$0x2] =	wrdreg s24  }
0xb5: {  	[dreg:$0x3] =	wrdreg s16  }
0xb6: {  	[dreg:$0x4] =	wrdreg $0x9  }
0xb7: {  	_ =	task.clear_ibuf [dreg:s7], $0x5FFFF;
	_ =	strace $0x90000046  }
0xb8: {  	s29 =	simm.s32 $0x9;
	_ =	strace $0x80000048  }
0xb9: {  	_ =	swait.ge [sflag:s29], $0x1  }
0xba: {  	[sflag:s29] =	ssyncadd.s32 $0xFFFFFFFF  }
0xbb: {  	_ =	strace $0x90000048  }
0xbc: {  	_ =	sfence  }
0xbd: {  	s30 =	sld [smem:$0x0];
	_ =	sdelay $0x2  }
0xbe: {  	s31 =	sshll.u32 s1, $0xD;
	s1 =	sshrl.u32 s1, $0x2  }
0xbf: {  	s3 =	sand.u32 $0x4000, s31;
	s1 =	sadd.s32 s1, s30  }
0xc0: {  	s0 =	sor.u32 s3, s0;
	s1 =	sshll.u32 s1, $0x11  }
0xc1: {  	s0 =	sor.u32 s1, s0  }
0xc2: {  	s0 =	sadd.s32 $0x8F2B, s0  }
0xc3: {  	[sflag:s0] =	ssyncadd.remote.s32 $0x1  }
0xc4: {  	_ =	sfence.sel $0xFFFF  }
0xc5: {  	[dreg:$0x0] =	wrdreg $0xFFFFFFFF;
	(pc) =	sbr.abs _section_cstart, $3  }
0xc6: {  	[dreg:$0x1] =	wrdreg $0xFFFFFFFF  }
0xc7: {  	_ =	task.clear_ibuf [dreg:s7], $0x2FFFF;
	_ =	strace $0x9FFFFFFF  }
0xc8: {  	(tm) =	ssettm $0x7FFFFFFF  }
0xc9: {  	_ =	shalt  }
tec
execute0_lowered:
.L_overlay_start_1:
0x0: {  	(tag) =	ssettag $0x1  }
0x1: {  	s0 =	rddreg [dreg:$0x0];
	s2 =	simm.s32 $0x0;
	s1 =	srdreg.scid  }
0x2: {  	s12 =	stileid.u32;
	s13 =	simm.s32 $0x80;
	s15 =	simm.s32 $0x4  }
0x3: {  	s17 =	simm.s32 $0x10;
	s19 =	simm.s32 $0xD80;
	s20 =	simm.s32 $0x20  }
0x4: {  	s22 =	simm.s32 $0x1580;
	s24 =	simm.s32 $0x2580;
	s25 =	simm.s32 $0x1  }
0x5: {  	s26 =	simm.s32 $0x2;
	[smem:$0x7FF] =	sst s2;
	s3 =	sadd.s32 $0x87000, s0  }
0x6: {  	s4 =	sadd.s32 $0x7000, s0;
	s5 =	sadd.s32 $0x47000, s0;
	s6 =	sadd.s32 $0x187000, s0  }
0x7: {  	v0 =	vlaneseq.u32;
	v7 =	vimm.s32 $0x0;
	vm0 =	vcmask $0x300;
	s8 =	sadd.s32 $0x1C7000, s0;
	s9 =	sadd.s32 $0x2C7000, s0;
	s1 =	sand.u32 $0x1, s1  }
0x8: {  	vm14 =	vcmask $0x704;
	vm15 =	vcmask $0xB08;
	s10 =	sadd.s32 $0x4C7000, s0;
	s11 =	sshll.u32 s12, $0x8;
	v2 =	vor.u32 $0x10, v0;
	s30 =	ssub.s32 $0x2, s1  }
0x9: {  	s31 =	sshll.u32 s12, $0xA;
	v3 =	vor.u32 $0x20, v0;
	v4 =	vor.u32 $0x30, v0;
	v5 =	vor.u32 $0x40, v0;
	s1 =	sshll.u32 s1, $0x7;
	s7 =	sshrl.u32 s30, $0x1  }
0xa: {  	v6 =	vor.u32 $0x50, v0;
	v8 =	vor.u32 $0x60, v0;
	v9 =	vsel vm0, $0xFFFFFFFF, v7;
	_ =	strace $0x80000047;
	s1 =	sor.u32 s1, s11;
	s0 =	ssub.s32 s30, s7  }
0xb: {  	v10 =	vor.u32 $0x70, v0;
	v11 =	vsel vm14, $0xFFFFFFFF, v7;
	v12 =	vor.u32 $0x80, v0;
	[dreg:$0x3] =	wrdreg s1;
	s1 =	sand.u32 $0x3800, s31;
	s0 =	smax.u32 s0, $0x1  }
0xc: {  	s28 =	simm.s32 $0x3;
	v13 =	vor.u32 $0x90, v0;
	v14 =	vsel vm15, $0xFFFFFFFF, v7;
	v1 =	vmov s1;
	s1 =	simm.s32 $0x0;
	[dreg:$0x4] =	wrdreg s0  }
.LBB2_1:
0xd: {  	[tilespmem:$0x800] =	vst v0  }
0xe: {  	[tilespmem:$0x810] =	vst v2  }
0xf: {  	[tilespmem:$0x820] =	vst v3  }
0x10: {  	[tilespmem:$0x880] =	vst v0  }
0x11: {  	[tilespmem:$0x890] =	vst v2  }
0x12: {  	[tilespmem:$0x8A0] =	vst v3  }
0x13: {  	[tilespmem:$0x8B0] =	vst v4  }
0x14: {  	[tilespmem:$0x900] =	vst v0  }
0x15: {  	[tilespmem:$0x910] =	vst v2  }
0x16: {  	[tilespmem:$0x920] =	vst v3  }
0x17: {  	[tilespmem:$0x930] =	vst v4  }
0x18: {  	[tilespmem:$0x940] =	vst v5  }
0x19: {  	[tilespmem:$0x950] =	vst v6  }
0x1a: {  	[tilespmem:$0x960] =	vst v8  }
0x1b: {  	[tilespmem:$0x970] =	vst v10  }
0x1c: {  	[tilespmem:$0x980] =	vst v12  }
0x1d: {  	[dreg:$0x5] =	wrdreg s1;
	[tilespmem:$0x990] =	vst v13;
	s7 =	simm.s32 $0x0  }
.LBB2_2:
0x1e: {  	s0 =	sshll.u32 s7, $0x1;
	s1 =	rddreg [dreg:$0x3]  }
0x1f: {  	s12 =	sadd.s32 s1, s0  }
0x20: {  	s18 =	sshll.u32 s7, $0x8;
	s21 =	sshrl.u32 s12, $0x3  }
0x21: {  	s0 =	sand.u32 $0x300, s18;
	s18 =	sshll.u32 s21, $0xE  }
0x22: {  	s23 =	sor.u32 s0, s18  }
0x23: {  	s1 =	sshrl.u32 s23, $0x3  }
0x24: {  	s11 =	simm.s32 $0x400;
	s23 =	simm.s32 $0x0;
	s1 =	sadd.s32 s3, s1  }
0x25: {  	[tilespmem:s23], [sflag:$0x4] =	stream.strided.gather [hbm4b:s1+s13], $0x800, s11, s13, $0x38;
	[tilespmem:$0x6580] =	vst v63  }
0x26: {  	_ =	swait.ge [sflag:s15], $0x800  }
0x27: {  	[sflag:s15] =	ssyncset.done $0x0  }
0x28: {  	[sflag:s15] =	ssyncadd.s32 $0xFFFFF800  }
0x29: {  	v15 =	vld [tilespmem:s23+$0x0];
	_ =	sdelay $0x4  }
0x2a: {  	vm0 =	vle.f32 v15, $1.599999960e-01  }
0x2b: {  	v16 =	vsel vm0, $0x1, v7  }
0x2c: {  	vm1 =	vle.f32 v15, $3.999999910e-02;
	(xrf0) =	vadd.scan.msk.s32 $0xffff, v16  }
0x2d: {  	vm2 =	vle.f32 v15, $9.999999770e-03;
	v15 =	vsel vm1, $0x1, v7  }
0x2e: {  	v16 =	vsel vm2, $0x1, v7;
	(xrf0) =	vadd.scan.msk.s32 $0xffff, v15  }
0x2f: {  	(xrf0) =	vadd.scan.msk.s32 $0xffff, v16;
	_ =	sdelay $0x2  }
0x30: {  	p0 =	por $0x1, $0x1;
	s1 =	simm.s32 $0x0;
	v16, _, _ =	vpop (xrf0)  }
0x31: {  	s11 =	simm.s32 $0x0;
	s1 =	simm.s32 @!p0 $0x80;
	p0 =	por $0x1, $0x1;
	v15 =	vor.u32 s23, v0;
	(v2sf) =	vpush v16, $0xF  }
0x32: {  	s11 =	simm.s32 @!p0 $0x20;
	p0 =	por $0x1, $0x1;
	[tilespmem:s1+$0x900] =	vst.msk vm0, v15;
	s1 =	simm.s32 $0x0;
	v17, _, _ =	vpop (xrf0)  }
0x33: {  	[tilespmem:s11+$0x880] =	vst.msk vm1, v15;
	s1 =	simm.s32 @!p0 $0x10;
	v16, _, _ =	vpop (xrf0);
	(v2sf) =	vpush v17, $0xF  }
0x34: {  	s30 =	simm.s32 $0x10;
	s31 =	simm.s32 $0x0;
	[tilespmem:s1+$0x800] =	vst.msk vm2, v15;
	(v2sf) =	vpush v16, $0xF  }
0x35: {  	s29 =	simm.s32 $0x0;
	s11 =	simm.s32 $0x10;
	s1 =	simm.s32 $0x20;
	v15 =	vld [tilespmem:s30+$0x0]  }
.LBB2_3:
0x36: {  	p0 =	sne.s32 s1, $0x7F0;
	_ =	sdelay $0x3  }
0x37: {  	vm0 =	vle.f32 v15, $9.999999770e-03;
	vm1 =	vle.f32 v15, $3.999999910e-02;
	vm2 =	vle.f32 v15, $1.599999960e-01  }
0x38: {  	v15 =	vsel vm0, $0x1, v7;
	v16 =	vsel vm1, $0x1, v7;
	v17 =	vsel vm2, $0x1, v7  }
0x39: {  	(xrf0) =	vadd.scan.msk.s32 $0xffff, v17  }
0x3a: {  	(xrf0) =	vadd.scan.msk.s32 $0xffff, v16  }
0x3b: {  	(xrf0) =	vadd.scan.msk.s32 $0xffff, v15;
	_ =	sdelay $0x1  }
0x3c: {  	s14 =	spop (v2sf)  }
0x3d: {  	s23 =	sadd.s32 s23, s14  }
0x3e: {  	v16 =	vor.u32 s30, v0;
	s14 =	spop (v2sf);
	p1 =	slt.s32 s23, $0x80;
	s30 =	smov.u32 s23  }
0x3f: {  	s31 =	sadd.s32 s31, s14;
	s14 =	spop (v2sf);
	s30 =	simm.s32 @!p1 $0x80  }
0x40: {  	v15, _, _ =	vpop (xrf0);
	p1 =	slt.s32 s31, $0x20;
	s29 =	sadd.s32 s29, s14;
	s14 =	smov.u32 s31  }
0x41: {  	v17, _, _ =	vpop (xrf0);
	(v2sf) =	vpush v15, $0xF;
	s14 =	simm.s32 @!p1 $0x20  }
.Ltmp0:
0x42: {  	[tilespmem:s30+$0x900] =	vst.msk vm2, v16;
	p1 =	slt.s32 s29, $0x10;
	v15, _, _ =	vpop (xrf0);
	(v2sf) =	vpush v17, $0xF;
	s30 =	smov.u32 s1;
	(pc) =	sbr.rel @p0 .LBB2_3-.Ltmp0, $4  }
0x43: {  	[tilespmem:s14+$0x880] =	vst.msk vm1, v16;
	s14 =	smov.u32 s29  }
0x44: {  	(v2sf) =	vpush v15, $0xF;
	s14 =	simm.s32 @!p1 $0x10  }
0x45: {  	s11 =	sadd.s32 $0x10, s11;
	[tilespmem:s14+$0x800] =	vst.msk vm0, v16  }
0x46: {  	s1 =	sadd.s32 $0x10, s1;
	v15 =	vld [tilespmem:s11+$0x0]  }
0x47: {  	_ =	sdelay $0x3  }
0x48: {  	vm2 =	vle.f32 v15, $1.599999960e-01  }
0x49: {  	vm1 =	vle.f32 v15, $3.999999910e-02;
	v16 =	vsel vm2, $0x1, v7  }
0x4a: {  	vm0 =	vle.f32 v15, $9.999999770e-03;
	v15 =	vsel vm1, $0x1, v7;
	(xrf0) =	vadd.scan.msk.s32 $0xffff, v16  }
0x4b: {  	v16 =	vsel vm0, $0x1, v7;
	(xrf0) =	vadd.scan.msk.s32 $0xffff, v15  }
0x4c: {  	(xrf0) =	vadd.scan.msk.s32 $0xffff, v16;
	_ =	sdelay $0x3  }
0x4d: {  	v15, _, _ =	vpop (xrf0)  }
0x4e: {  	v16, _, _ =	vpop (xrf0);
	(v2sf) =	vpush v15, $0xF  }
0x4f: {  	v15, _, _ =	vpop (xrf0);
	(v2sf) =	vpush v16, $0xF  }
0x50: {  	(v2sf) =	vpush v15, $0xF;
	_ =	sdelay $0x9  }
0x51: {  	s1 =	spop (v2sf)  }
0x52: {  	s11 =	spop (v2sf)  }
0x53: {  	s16 =	sadd.s32 s23, s1;
	s11 =	sadd.s32 s31, s11;
	s14 =	spop (v2sf)  }
0x54: {  	p0 =	slt.s32 s16, $0x80;
	s1 =	smov.u32 s16;
	s23 =	spop (v2sf)  }
0x55: {  	p1 =	slt.s32 s11, $0x20;
	s14 =	sadd.s32 s29, s14;
	s31 =	spop (v2sf)  }
0x56: {  	s29 =	smov.u32 s11;
	s11 =	sadd.s32 s11, s31;
	s31 =	spop (v2sf)  }
0x57: {  	s21 =	sshll.u32 s21, $0xA;
	s1 =	simm.s32 @!p0 $0x80;
	v15 =	vor.u32 s30, v0;
	s30 =	sadd.s32 s14, s31  }
0x58: {  	s29 =	simm.s32 @!p1 $0x20;
	p0 =	slt.s32 s14, $0x10;
	[tilespmem:s1+$0x900] =	vst.msk vm2, v15;
	s23 =	sadd.s32 s16, s23;
	v17 =	vand.u32 s11, v11;
	v16 =	vand.u32 s30, v9  }
0x59: {  	s0 =	sor.u32 s0, s21;
	[tilespmem:s29+$0x880] =	vst.msk vm1, v15;
	s14 =	simm.s32 @!p0 $0x10;
	v16 =	vadd.s32 v16, v17;
	v17 =	vand.u32 s23, v14  }
0x5a: {  	s0 =	sshrl.u32 s0, $0x3;
	[tilespmem:s14+$0x800] =	vst.msk vm0, v15;
	s14 =	rddreg [dreg:$0x1];
	v15 =	vadd.s32 v17, v16  }
0x5b: {  	s16 =	simm.s32 $0xD00;
	s0 =	sadd.s32 s14, s0;
	s23 =	simm.s32 $0x0;
	[tilespmem:$0xD00] =	vst v15  }
0x5c: {  	[hbm4b:s0+s23] =	stream.linear.scatter [tilespmem:s16], [sflag:$0x4], $0x80, $0x38;
	[tilespmem:$0x6580] =	vst v63  }
0x5d: {  	_ =	swait.ge [sflag:s15], $0x80  }
0x5e: {  	[sflag:s15] =	ssyncset.done $0x0  }
0x5f: {  	[sflag:s15] =	ssyncadd.s32 $0xFFFFFF80  }
0x60: {  	v15 =	vld [tilespmem:$0x800]  }
0x61: {  	v16 =	vld [tilespmem:$0x880]  }
0x62: {  	v17 =	vld [tilespmem:$0x890]  }
0x63: {  	v18 =	vld [tilespmem:$0x900]  }
0x64: {  	v19 =	vld [tilespmem:$0x910]  }
0x65: {  	v20 =	vld [tilespmem:$0x920];
	v15 =	vadd.s32 v1, v15  }
0x66: {  	[tilespmem:$0xA00] =	vst v15;
	v15 =	vadd.s32 v1, v16;
	v16 =	vld [tilespmem:$0x930]  }
0x67: {  	[tilespmem:$0xA80] =	vst v15;
	v15 =	vadd.s32 v1, v17;
	v17 =	vld [tilespmem:$0x940]  }
0x68: {  	v61 =	vld [tilespmem:$0x950];
	[tilespmem:$0xA90] =	vst v15;
	v15 =	vadd.s32 v1, v18  }
0x69: {  	v62 =	vld [tilespmem:$0x960];
	[tilespmem:$0xB00] =	vst v15;
	v15 =	vadd.s32 v1, v19  }
0x6a: {  	v63 =	vld [tilespmem:$0x970];
	[tilespmem:$0xB10] =	vst v15;
	v15 =	vadd.s32 v1, v20  }
0x6b: {  	[tilespmem:$0xB20] =	vst v15;
	v15 =	vadd.s32 v1, v16  }
0x6c: {  	[tilespmem:$0xB30] =	vst v15;
	v15 =	vadd.s32 v1, v17  }
0x6d: {  	[tilespmem:$0xB40] =	vst v15;
	v15 =	vadd.s32 v1, v61  }
0x6e: {  	s0 =	sor.u32 $0x1, s12;
	[tilespmem:$0xB50] =	vst v15;
	v15 =	vadd.s32 v1, v62  }
0x6f: {  	s16 =	sshll.u32 s0, $0x7;
	[tilespmem:$0xB60] =	vst v15;
	v15 =	vadd.s32 v1, v63  }
0x70: {  	s1 =	simm.s32 $0xA00;
	s29 =	sand.u32 $0x380, s16;
	[tilespmem:$0xB70] =	vst v15  }
0x71: {  	[tilespmem:s19], [sflag:$0x1] =	stream.indirect.gather [hbm4b:s4+s17], $0x80, s1, s17, $0xb8;
	[tilespmem:$0x6580] =	vst v63  }
0x72: {  	s11 =	simm.s32 $0xA80;
	s1 =	sor.u32 s18, s29  }
0x73: {  	[tilespmem:s22], [sflag:$0x2] =	stream.indirect.gather [hbm4b:s5+s20], $0x80, s11, s20, $0xb8;
	[tilespmem:$0x6580] =	vst v63  }
0x74: {  	s14 =	simm.s32 $0xB00;
	s1 =	sshrl.u32 s1, $0x3  }
0x75: {  	[tilespmem:s24], [sflag:$0x3] =	stream.indirect.gather [hbm4b:s6+s13], $0x80, s14, s13, $0xb8;
	[tilespmem:$0x6580] =	vst v63  }
0x76: {  	s18 =	simm.s32 $0x400;
	s1 =	sadd.s32 s3, s1  }
0x77: {  	[tilespmem:s23], [sflag:$0x4] =	stream.strided.gather [hbm4b:s1+s13], $0x800, s18, s13, $0x38;
	[tilespmem:$0x6580] =	vst v63  }
0x78: {  	_ =	swait.ge [sflag:s15], $0x800  }
0x79: {  	[sflag:s15] =	ssyncset.done $0x0  }
0x7a: {  	[sflag:s15] =	ssyncadd.s32 $0xFFFFF800  }
0x7b: {  	v15 =	vld [tilespmem:s23+$0x0];
	_ =	sdelay $0x4  }
0x7c: {  	vm13 =	vle.f32 v15, $1.599999960e-01  }
0x7d: {  	v16 =	vsel vm13, $0x1, v7  }
0x7e: {  	vm14 =	vle.f32 v15, $3.999999910e-02;
	(xrf0) =	vadd.scan.msk.s32 $0xffff, v16  }
0x7f: {  	vm15 =	vle.f32 v15, $9.999999770e-03;
	v15 =	vsel vm14, $0x1, v7  }
0x80: {  	v16 =	vsel vm15, $0x1, v7;
	(xrf0) =	vadd.scan.msk.s32 $0xffff, v15  }
0x81: {  	(xrf0) =	vadd.scan.msk.s32 $0xffff, v16;
	_ =	sdelay $0x2  }
0x82: {  	p0 =	por $0x1, $0x1;
	s1 =	simm.s32 $0x0;
	v16, _, _ =	vpop (xrf0)  }
0x83: {  	s11 =	simm.s32 $0x0;
	s1 =	simm.s32 @!p0 $0x80;
	p0 =	por $0x1, $0x1;
	v15 =	vor.u32 s23, v0;
	(v2sf) =	vpush v16, $0xF  }
0x84: {  	s11 =	simm.s32 @!p0 $0x20;
	p0 =	por $0x1, $0x1;
	[tilespmem:s1+$0x900] =	vst.msk vm13, v15;
	s1 =	simm.s32 $0x0;
	v17, _, _ =	vpop (xrf0)  }
0x85: {  	[tilespmem:s11+$0x880] =	vst.msk vm14, v15;
	s1 =	simm.s32 @!p0 $0x10;
	v16, _, _ =	vpop (xrf0);
	(v2sf) =	vpush v17, $0xF  }
0x86: {  	s31 =	simm.s32 $0x10;
	s30 =	simm.s32 $0x0;
	[tilespmem:s1+$0x800] =	vst.msk vm15, v15;
	(v2sf) =	vpush v16, $0xF  }
0x87: {  	s18 =	simm.s32 $0x0;
	s11 =	simm.s32 $0x10;
	s1 =	simm.s32 $0x20;
	v15 =	vld [tilespmem:s31+$0x0]  }
.LBB2_5:
0x88: {  	p0 =	sne.s32 s1, $0x7F0;
	_ =	sdelay $0x3  }
0x89: {  	vm0 =	vle.f32 v15, $9.999999770e-03;
	vm1 =	vle.f32 v15, $3.999999910e-02;
	vm2 =	vle.f32 v15, $1.599999960e-01  }
0x8a: {  	v15 =	vsel vm0, $0x1, v7;
	v16 =	vsel vm1, $0x1, v7;
	v17 =	vsel vm2, $0x1, v7  }
0x8b: {  	(xrf0) =	vadd.scan.msk.s32 $0xffff, v17  }
0x8c: {  	(xrf0) =	vadd.scan.msk.s32 $0xffff, v16  }
0x8d: {  	(xrf0) =	vadd.scan.msk.s32 $0xffff, v15;
	_ =	sdelay $0x1  }
0x8e: {  	s14 =	spop (v2sf)  }
0x8f: {  	v16 =	vor.u32 s31, v0;
	s31 =	smov.u32 s1;
	s23 =	sadd.s32 s23, s14  }
0x90: {  	s14 =	spop (v2sf);
	p1 =	slt.s32 s23, $0x80;
	s16 =	smov.u32 s23  }
0x91: {  	v15, _, _ =	vpop (xrf0);
	s30 =	sadd.s32 s30, s14;
	s14 =	spop (v2sf);
	s16 =	simm.s32 @!p1 $0x80  }
0x92: {  	p1 =	slt.s32 s30, $0x20;
	v17, _, _ =	vpop (xrf0);
	(v2sf) =	vpush v15, $0xF;
	s18 =	sadd.s32 s18, s14;
	s14 =	smov.u32 s30  }
.Ltmp1:
0x93: {  	[tilespmem:s16+$0x900] =	vst.msk vm2, v16;
	s14 =	simm.s32 @!p1 $0x20;
	p1 =	slt.s32 s18, $0x10;
	v15, _, _ =	vpop (xrf0);
	(v2sf) =	vpush v17, $0xF;
	(pc) =	sbr.rel @p0 .LBB2_5-.Ltmp1, $4  }
0x94: {  	[tilespmem:s14+$0x880] =	vst.msk vm1, v16;
	s14 =	smov.u32 s18  }
0x95: {  	(v2sf) =	vpush v15, $0xF;
	s14 =	simm.s32 @!p1 $0x10  }
0x96: {  	s11 =	sadd.s32 $0x10, s11;
	[tilespmem:s14+$0x800] =	vst.msk vm0, v16  }
0x97: {  	s1 =	sadd.s32 $0x10, s1;
	v15 =	vld [tilespmem:s11+$0x0]  }
0x98: {  	_ =	sdelay $0x3  }
0x99: {  	vm2 =	vle.f32 v15, $1.599999960e-01  }
0x9a: {  	vm1 =	vle.f32 v15, $3.999999910e-02;
	v16 =	vsel vm2, $0x1, v7  }
0x9b: {  	vm0 =	vle.f32 v15, $9.999999770e-03;
	v15 =	vsel vm1, $0x1, v7;
	(xrf0) =	vadd.scan.msk.s32 $0xffff, v16  }
0x9c: {  	v53 =	vsel vm0, $0x1, v7;
	(xrf0) =	vadd.scan.msk.s32 $0xffff, v15  }
0x9d: {  	(xrf0) =	vadd.scan.msk.s32 $0xffff, v53;
	_ =	sdelay $0x3  }
0x9e: {  	v15, _, _ =	vpop (xrf0)  }
0x9f: {  	v54, _, _ =	vpop (xrf0);
	(v2sf) =	vpush v15, $0xF  }
0xa0: {  	v15, _, _ =	vpop (xrf0);
	(v2sf) =	vpush v54, $0xF  }
0xa1: {  	(v2sf) =	vpush v15, $0xF;
	_ =	sdelay $0x9  }
0xa2: {  	s1 =	spop (v2sf)  }
0xa3: {  	s11 =	spop (v2sf)  }
0xa4: {  	s1 =	sadd.s32 s23, s1;
	s14 =	spop (v2sf)  }
0xa5: {  	p0 =	slt.s32 s1, $0x80;
	s16 =	spop (v2sf)  }
0xa6: {  	s11 =	sadd.s32 s30, s11;
	s23 =	smov.u32 s1;
	s30 =	spop (v2sf)  }
0xa7: {  	s23 =	simm.s32 @!p0 $0x80;
	s14 =	sadd.s32 s18, s14;
	s18 =	spop (v2sf)  }
0xa8: {  	p0 =	slt.s32 s11, $0x20;
	v15 =	vor.u32 s31, v0;
	s30 =	sadd.s32 s11, s30;
	s18 =	sadd.s32 s14, s18  }
0xa9: {  	[tilespmem:s23+$0x900] =	vst.msk vm2, v15;
	s1 =	sadd.s32 s1, s16;
	s11 =	simm.s32 @!p0 $0x20;
	p0 =	slt.s32 s14, $0x10;
	v17 =	vand.u32 s30, v11;
	v55 =	vand.u32 s18, v9  }
0xaa: {  	s29 =	sor.u32 s21, s29;
	v18 =	vand.u32 s1, v14;
	[tilespmem:s11+$0x880] =	vst.msk vm1, v15;
	s14 =	simm.s32 @!p0 $0x10;
	v16 =	vadd.s32 v55, v17  }
0xab: {  	s1 =	sshrl.u32 s29, $0x3;
	s30 =	rddreg [dreg:$0x1];
	[tilespmem:s14+$0x800] =	vst.msk vm0, v15;
	v15 =	vadd.s32 v18, v16  }
0xac: {  	s31 =	simm.s32 $0xD00;
	s1 =	sadd.s32 s30, s1;
	[tilespmem:$0xD00] =	vst v15  }
0xad: {  	[hbm4b:s1+s2] =	stream.linear.scatter [tilespmem:s31], [sflag:$0x4], $0x80, $0x38;
	[tilespmem:$0x6580] =	vst v63  }
0xae: {  	_ =	swait.ge [sflag:s15], $0x80  }
0xaf: {  	[sflag:s15] =	ssyncset.done $0x0  }
0xb0: {  	[sflag:s15] =	ssyncadd.s32 $0xFFFFFF80  }
0xb1: {  	v15 =	vld [tilespmem:$0x800]  }
0xb2: {  	v56 =	vld [tilespmem:$0x880]  }
0xb3: {  	v57 =	vld [tilespmem:$0x890]  }
0xb4: {  	v58 =	vld [tilespmem:$0x900]  }
0xb5: {  	v19 =	vld [tilespmem:$0x910]  }
0xb6: {  	v20 =	vld [tilespmem:$0x920];
	v15 =	vadd.s32 v1, v15  }
0xb7: {  	v59 =	vld [tilespmem:$0x930];
	[tilespmem:$0xB80] =	vst v15;
	v15 =	vadd.s32 v1, v56  }
0xb8: {  	v60 =	vld [tilespmem:$0x940];
	[tilespmem:$0xC00] =	vst v15;
	v15 =	vadd.s32 v1, v57  }
0xb9: {  	v61 =	vld [tilespmem:$0x950];
	[tilespmem:$0xC10] =	vst v15;
	v15 =	vadd.s32 v1, v58  }
0xba: {  	v62 =	vld [tilespmem:$0x960];
	[tilespmem:$0xC80] =	vst v15;
	v15 =	vadd.s32 v1, v19  }
0xbb: {  	v63 =	vld [tilespmem:$0x970];
	[tilespmem:$0xC90] =	vst v15;
	v15 =	vadd.s32 v1, v20  }
0xbc: {  	[tilespmem:$0xCA0] =	vst v15;
	v15 =	vadd.s32 v1, v59  }
0xbd: {  	[tilespmem:$0xCB0] =	vst v15;
	v15 =	vadd.s32 v1, v60  }
0xbe: {  	[tilespmem:$0xCC0] =	vst v15;
	v15 =	vadd.s32 v1, v61  }
0xbf: {  	[tilespmem:$0xCD0] =	vst v15;
	v15 =	vadd.s32 v1, v62  }
0xc0: {  	[tilespmem:$0xCE0] =	vst v15;
	v15 =	vadd.s32 v1, v63  }
0xc1: {  	[tilespmem:$0xCF0] =	vst v15  }
0xc2: {  	_ =	swait.ge [sflag:s25], $0x800  }
0xc3: {  	s11 =	sshll.u32 s12, $0x8;
	[sflag:s25] =	ssyncset.done $0x0  }
0xc4: {  	s1 =	sadd.s32 s8, s11;
	[sflag:s25] =	ssyncadd.s32 $0xFFFFF800  }
0xc5: {  	[hbm4b:s1+s2] =	stream.linear.scatter [tilespmem:s19], [sflag:$0x4], $0x800, $0x38;
	[tilespmem:$0x6580] =	vst v63  }
0xc6: {  	_ =	swait.ge [sflag:s15], $0x800  }
0xc7: {  	[sflag:s15] =	ssyncset.done $0x0  }
0xc8: {  	[sflag:s15] =	ssyncadd.s32 $0xFFFFF800  }
0xc9: {  	_ =	swait.ge [sflag:s26], $0x1000  }
0xca: {  	s14 =	sshll.u32 s12, $0x9;
	[sflag:s26] =	ssyncset.done $0x0  }
0xcb: {  	s1 =	sadd.s32 s9, s14;
	[sflag:s26] =	ssyncadd.s32 $0xFFFFF000  }
0xcc: {  	[hbm4b:s1+s2] =	stream.linear.scatter [tilespmem:s22], [sflag:$0x4], $0x1000, $0x38;
	[tilespmem:$0x6580] =	vst v63  }
0xcd: {  	_ =	swait.ge [sflag:s15], $0x1000  }
0xce: {  	[sflag:s15] =	ssyncset.done $0x0  }
0xcf: {  	[sflag:s15] =	ssyncadd.s32 $0xFFFFF000  }
0xd0: {  	_ =	swait.ge [sflag:s28], $0x4000  }
0xd1: {  	s16 =	sshll.u32 s12, $0xB;
	[sflag:s28] =	ssyncset.done $0x0  }
0xd2: {  	s1 =	sadd.s32 s10, s16;
	[sflag:s28] =	ssyncadd.s32 $0xFFFFC000  }
0xd3: {  	[hbm4b:s1+s2] =	stream.linear.scatter [tilespmem:s24], [sflag:$0x4], $0x4000, $0x38;
	[tilespmem:$0x6580] =	vst v63  }
0xd4: {  	_ =	swait.ge [sflag:s15], $0x4000  }
0xd5: {  	[sflag:s15] =	ssyncset.done $0x0  }
0xd6: {  	s18 =	simm.s32 $0xB80;
	[sflag:s15] =	ssyncadd.s32 $0xFFFFC000  }
0xd7: {  	[tilespmem:s19], [sflag:$0x1] =	stream.indirect.gather [hbm4b:s4+s17], $0x80, s18, s17, $0xb8;
	[tilespmem:$0x6580] =	vst v63  }
0xd8: {  	s21 =	simm.s32 $0xC00  }
0xd9: {  	[tilespmem:s22], [sflag:$0x2] =	stream.indirect.gather [hbm4b:s5+s20], $0x80, s21, s20, $0xb8;
	[tilespmem:$0x6580] =	vst v63  }
0xda: {  	s23 =	simm.s32 $0xC80  }
0xdb: {  	[tilespmem:s24], [sflag:$0x3] =	stream.indirect.gather [hbm4b:s6+s13], $0x80, s23, s13, $0xb8;
	[tilespmem:$0x6580] =	vst v63  }
0xdc: {  	s29 =	sshll.u32 s0, $0x8;
	_ =	swait.ge [sflag:s25], $0x800  }
0xdd: {  	s1 =	sand.u32 $0x1FFFFF00, s29;
	[sflag:s25] =	ssyncset.done $0x0  }
0xde: {  	s1 =	sadd.s32 s8, s1;
	[sflag:s25] =	ssyncadd.s32 $0xFFFFF800  }
0xdf: {  	[hbm4b:s1+s2] =	stream.linear.scatter [tilespmem:s19], [sflag:$0x4], $0x800, $0x38;
	[tilespmem:$0x6580] =	vst v63  }
0xe0: {  	_ =	swait.ge [sflag:s15], $0x800  }
0xe1: {  	[sflag:s15] =	ssyncset.done $0x0  }
0xe2: {  	[sflag:s15] =	ssyncadd.s32 $0xFFFFF800  }
0xe3: {  	s30 =	sshll.u32 s0, $0x9;
	_ =	swait.ge [sflag:s26], $0x1000  }
0xe4: {  	s1 =	sand.u32 $0x1FFFFE00, s30;
	[sflag:s26] =	ssyncset.done $0x0  }
0xe5: {  	s1 =	sadd.s32 s9, s1;
	[sflag:s26] =	ssyncadd.s32 $0xFFFFF000  }
0xe6: {  	[hbm4b:s1+s2] =	stream.linear.scatter [tilespmem:s22], [sflag:$0x4], $0x1000, $0x38;
	[tilespmem:$0x6580] =	vst v63  }
0xe7: {  	_ =	swait.ge [sflag:s15], $0x1000  }
0xe8: {  	[sflag:s15] =	ssyncset.done $0x0  }
0xe9: {  	[sflag:s15] =	ssyncadd.s32 $0xFFFFF000  }
0xea: {  	s7 =	sadd.s32 $0x1, s7;
	s31 =	sshll.u32 s0, $0xB;
	_ =	swait.ge [sflag:s28], $0x4000  }
0xeb: {  	p0 =	sne.s32 s7, $0x40;
	s0 =	sand.u32 $0x1FFFF800, s31;
	[sflag:s28] =	ssyncset.done $0x0  }
.Ltmp2:
0xec: {  	s0 =	sadd.s32 s10, s0;
	[sflag:s28] =	ssyncadd.s32 $0xFFFFC000;
	(pc) =	sbr.rel @p0 .LBB2_2-.Ltmp2, $4  }
0xed: {  	[hbm4b:s0+s2] =	stream.linear.scatter [tilespmem:s24], [sflag:$0x4], $0x4000, $0x38;
	[tilespmem:$0x6580] =	vst v63  }
0xee: {  	_ =	swait.ge [sflag:s15], $0x4000  }
0xef: {  	[sflag:s15] =	ssyncset.done $0x0  }
0xf0: {  	[sflag:s15] =	ssyncadd.s32 $0xFFFFC000  }
0xf1: {  	s1 =	rddreg [dreg:$0x5]  }
0xf2: {  	s0 =	rddreg [dreg:$0x4];
	s1 =	sadd.s32 $0x1, s1  }
0xf3: {  	p0 =	sne.s32 s1, s0  }
.Ltmp3:
0xf4: {  	_ = 	snop;
	(pc) =	sbr.rel @p0 .LBB2_1-.Ltmp3, $1  }
0xf5: {  	_ =	sdelay $0x3  }
0xf6: {  	_ =	sfence.sel $0x180000  }
0xf7: {  	[bflag:$0x0] =	sbarrier.arrive $0xFFFF  }
0xf8: {  	_ =	strace $0x90000047  }
0xf9: {  	s0 =	stileid.u32;
	[bflag:$0x2] =	sbarrier.arrive $0xFFFF  }
0xfa: {  	p0 =	sne.s32 s0, $0x0;
	s0 =	rddreg [dreg:$0x2]  }
0xfb: {  	s0 =	sadd.s32 @!p0 $0x100000, s0  }
0xfc: {  	[sflag:s0] =	ssyncadd.tile.s32 @!p0 $0x1;
	_ =	shalt  }
.Lfunc_end2:
_tile_overlayer_lowered:
.L_overlay_start_2:
0xfd: {  	(tag) =	ssettag $0x2  }
0xfe: {  	s0 =	rddreg [dreg:$0x0];
	s2 =	stileid.u32  }
0xff: {  	s1 =	rddreg [dreg:$0x1];
	p0 =	sne.s32 s2, $0x0  }
0x100: {  	s3 =	rddreg [dreg:$0x2];
	[bflag:$0x3] =	sbarrier.arrive $0xFFFF;
	s2 =	simm.s32 @!p0 $0x1C04  }
0x101: {  	[timem:s3], [sflag:s2] =	dma.local @!p0 [hbm:s0], s1  }
0x102: {  	s0 =	simm.s32 @!p0 $0x4  }
0x103: {  	_ =	swait.ge @!p0 [sflag:s0], s1  }
0x104: {  	s1 =	ssub.s32 @!p0 $0x0, s1;
	[sflag:s0] =	ssyncset.done @!p0 $0x0  }
0x105: {  	[sflag:s0] =	ssyncadd.s32 @!p0 s1  }
0x106: {  	[bflag:$0x3] =	sbarrier.arrive $0xFFFF  }
0x107: {  	_ =	shalt  }

</sc_bundles>
